<compile_context>
chip_gen: v7x
topology: tpu7x:2x2x1
jax: 0.10.2.dev20260603
libtpu: 0.0.44.dev20260713+nightly
codegen_flags: <defaults>
</compile_context>

<pallas_src>
import functools

import jax
import jax.numpy as jnp
from jax import lax
from jax.experimental import pallas as pl
from jax.experimental.pallas import tpu as pltpu
from jax.experimental.pallas import tpu_sc as plsc

B = 16384
D = 128
NAGE = 120
NGND = 4
NCOMBO = NAGE * NGND

NC = 2
NS = 16
NW = NC * NS
BPW = B // NW
CH = 64
NCH = BPW // CH
LANES = 16


def _combo_table_body(age_t_ref, gnd_t_ref, gamma_ref, beta_ref, t_ref):
    at = age_t_ref[...]
    gt = gnd_t_ref[...]
    s = (jnp.sum(at, axis=1, keepdims=True)[None, :, :]
         + jnp.sum(gt, axis=1, keepdims=True)[:, None, :])
    mean = s / D
    ca = at[None, :, :] - mean
    cg = gt[:, None, :] - mean
    var = (jnp.sum(ca * ca, axis=2, keepdims=True)
           + jnp.sum(cg * cg, axis=2, keepdims=True)) / D
    rstd = lax.rsqrt(var + 1e-6)
    gamma = gamma_ref[...].reshape(1, D)
    beta = beta_ref[...].reshape(1, D)
    left = ca * rstd * gamma[None, :, :64] + beta[None, :, :64]
    right = cg * rstd * gamma[None, :, 64:] + beta[None, :, 64:]
    t_ref[...] = jnp.concatenate([left, right], axis=-1)


def _build_combo_table(age_table, gnd_table, gamma, beta):
    t3 = pl.pallas_call(
        _combo_table_body,
        out_shape=jax.ShapeDtypeStruct((NGND, NAGE, D), jnp.float32),
    )(age_table, gnd_table, gamma, beta)
    return t3.reshape(NCOMBO, D)


def _sc_gather_body(age_hbm, gnd_hbm, t_hbm, out_hbm,
                    cidx, av, gv, rows, tspm,
                    g0, g1, g2, g3, g4, g5, g6, g7, ia, ig, it, ssem):
    gsems = (g0, g1, g2, g3, g4, g5, g6, g7)
    sid = lax.axis_index("s")
    wid = sid * NC + lax.axis_index("c")
    base = wid * BPW
    age_cp = pltpu.async_copy(age_hbm.at[pl.ds(base, BPW)], av, ia)
    gnd_cp = pltpu.async_copy(gnd_hbm.at[pl.ds(base, BPW)], gv, ig)
    t_cp = None
    @pl.when(sid == 0)
    def _():
        nonlocal t_cp
        t_cp = pltpu.async_copy(t_hbm, tspm, it)
    age_cp.wait()
    gnd_cp.wait()
    gathers = []
    for k in range(NCH):
        for i in range(CH // LANES):
            sl = pl.ds(i * LANES, LANES)
            src = pl.ds(k * CH + i * LANES, LANES)
            cidx[k, sl] = gv[src] * NAGE + av[src]
        if k == 0:
            @pl.when(sid == 0)
            def _():
                t_cp.wait()
            plsc.subcore_barrier()
        gathers.append(
            pltpu.async_copy(tspm.at[cidx.at[k]], rows.at[k], gsems[k])
        )
    scatters = []
    for k in range(NCH):
        gathers[k].wait()
        scatters.append(
            pltpu.async_copy(rows.at[k], out_hbm.at[pl.ds(base + k * CH, CH)], ssem)
        )
    for s in scatters:
        s.wait()


@functools.lru_cache(maxsize=None)
def _make_sc_gather():
    mesh = plsc.VectorSubcoreMesh(
        core_axis_name="c", subcore_axis_name="s", num_cores=NC, num_subcores=NS
    )
    return pl.kernel(
        _sc_gather_body,
        out_type=jax.ShapeDtypeStruct((B, D), jnp.float32),
        mesh=mesh,
        scratch_types=[
            pltpu.VMEM((NCH, CH), jnp.int32),
            pltpu.VMEM((BPW,), jnp.int32),
            pltpu.VMEM((BPW,), jnp.int32),
            pltpu.VMEM((NCH, CH, D), jnp.float32),
            pltpu.VMEM_SHARED((NCOMBO, D), jnp.float32),
            pltpu.SemaphoreType.DMA,
            pltpu.SemaphoreType.DMA,
            pltpu.SemaphoreType.DMA,
            pltpu.SemaphoreType.DMA,
            pltpu.SemaphoreType.DMA,
            pltpu.SemaphoreType.DMA,
            pltpu.SemaphoreType.DMA,
            pltpu.SemaphoreType.DMA,
            pltpu.SemaphoreType.DMA,
            pltpu.SemaphoreType.DMA,
            pltpu.SemaphoreType.DMA,
            pltpu.SemaphoreType.DMA,
        ],
    )


def kernel(age, gnd, age_table, gnd_table, gamma, beta):
    age = age.astype(jnp.int32)
    gnd = gnd.astype(jnp.int32)
    t = _build_combo_table(age_table, gnd_table, gamma, beta)
    return _make_sc_gather()(age, gnd, t)

# --- scband reference (transcript-rebuilt; emitter-appended) ---
"""Pipeline reference for scband-demographics-82575041232921 (READ-ONLY COPY).

The authoritative reference and input builder live on the scoring server;
editing this copy changes nothing except your own understanding.
"""

import jax, jax.numpy as jnp
import numpy as np


def setup_inputs(seed: int = 0) -> dict:
    key = jax.random.key(seed)
    k1, k2, k3, k4 = jax.random.split(key, 4)
    age = jax.random.randint(k1, (16384,), 0, 120)
    gnd = jax.random.randint(k2, (16384,), 0, 4)
    age_table = jax.random.normal(k3, (120, 64), dtype=jnp.float32)
    gnd_table = jax.random.normal(k4, (4, 64), dtype=jnp.float32)
    gamma = jnp.ones((128,), dtype=jnp.float32)
    beta = jnp.zeros((128,), dtype=jnp.float32)
    return {"age": age, "gnd": gnd, "age_table": age_table, "gnd_table": gnd_table, "gamma": gamma, "beta": beta}


def reference(age, gnd, age_table, gnd_table, gamma, beta):
    age_emb = jnp.take(age_table, age, axis=0)
    gnd_emb = jnp.take(gnd_table, gnd, axis=0)
    out = jnp.concatenate((age_emb, gnd_emb), axis=-1)
    mean = jnp.mean(out, axis=-1, keepdims=True)
    var = jnp.mean((out - mean) ** 2, axis=-1, keepdims=True)
    normed = (out - mean) / jnp.sqrt(var + 1e-06)
    return normed * gamma + beta

if __name__ == "__main__":
    import jax
    _d = setup_inputs()
    print(jax.jit(kernel)(*tuple(_d.values())))

</pallas_src>

<mosaic_0001>
#map = affine_map<(d0, d1) -> (0)>
#map1 = affine_map<(d0, d1) -> (0, 0)>
module attributes {stable_mosaic.version = 14 : i64} {
  func.func @_sc_gather_body(%arg0: i32, %arg1: i32, %arg2: memref<16384xi32, #tpu.memory_space<hbm>>, %arg3: memref<16384xi32, #tpu.memory_space<hbm>>, %arg4: memref<480x128xf32, #tpu.memory_space<hbm>>, %arg5: memref<16384x128xf32, #tpu.memory_space<hbm>>, %arg6: memref<8x64xi32, #tpu.memory_space<vmem>>, %arg7: memref<512xi32, #tpu.memory_space<vmem>>, %arg8: memref<512xi32, #tpu.memory_space<vmem>>, %arg9: memref<8x64x128xf32, #tpu.memory_space<vmem>>, %arg10: memref<480x128xf32, #tpu.memory_space<vmem_shared>>, %arg11: memref<!tpu.dma_semaphore, #tpu.memory_space<semaphore_mem>>, %arg12: memref<!tpu.dma_semaphore, #tpu.memory_space<semaphore_mem>>, %arg13: memref<!tpu.dma_semaphore, #tpu.memory_space<semaphore_mem>>, %arg14: memref<!tpu.dma_semaphore, #tpu.memory_space<semaphore_mem>>, %arg15: memref<!tpu.dma_semaphore, #tpu.memory_space<semaphore_mem>>, %arg16: memref<!tpu.dma_semaphore, #tpu.memory_space<semaphore_mem>>, %arg17: memref<!tpu.dma_semaphore, #tpu.memory_space<semaphore_mem>>, %arg18: memref<!tpu.dma_semaphore, #tpu.memory_space<semaphore_mem>>, %arg19: memref<!tpu.dma_semaphore, #tpu.memory_space<semaphore_mem>>, %arg20: memref<!tpu.dma_semaphore, #tpu.memory_space<semaphore_mem>>, %arg21: memref<!tpu.dma_semaphore, #tpu.memory_space<semaphore_mem>>, %arg22: memref<!tpu.dma_semaphore, #tpu.memory_space<semaphore_mem>>) attributes {dimension_semantics = [#tpu.dimension_semantics<core_parallel>, #tpu.dimension_semantics<subcore_parallel>], iteration_bounds = array<i64: 2, 16>, scalar_prefetch = 0 : i64, scratch_operands = 17 : i64, tpu.core_type = #tpu.core_type<sc_vector_subcore>, window_params = [{transform_indices = #map}, {transform_indices = #map}, {transform_indices = #map1}, {transform_indices = #map1}]} {
    %mul3A = arith.constant 2 : i32
    %mul3A_0 = arith.muli %arg1, %mul3A : i32
    %add3A = arith.addi %mul3A_0, %arg0 : i32
    %mul3A_1 = arith.constant 512 : i32
    %mul3A_2 = arith.muli %add3A, %mul3A_1 : i32
    %dma_start3A = tpu.memref_slice %arg2[%mul3A_2] : memref<16384xi32, #tpu.memory_space<hbm>> -> memref<512xi32, #tpu.memory_space<hbm>>
    %dma_start3A_3 = tpu.memref_slice %arg2[%mul3A_2] : memref<16384xi32, #tpu.memory_space<hbm>> -> memref<512xi32, #tpu.memory_space<hbm>>
    tpu.enqueue_dma source(%dma_start3A_3 : memref<512xi32, #tpu.memory_space<hbm>>) target(%arg7 : memref<512xi32, #tpu.memory_space<vmem>>) target_semaphore(%arg19 : memref<!tpu.dma_semaphore, #tpu.memory_space<semaphore_mem>>)
    %dma_start3A_4 = tpu.memref_slice %arg3[%mul3A_2] : memref<16384xi32, #tpu.memory_space<hbm>> -> memref<512xi32, #tpu.memory_space<hbm>>
    %dma_start3A_5 = tpu.memref_slice %arg3[%mul3A_2] : memref<16384xi32, #tpu.memory_space<hbm>> -> memref<512xi32, #tpu.memory_space<hbm>>
    tpu.enqueue_dma source(%dma_start3A_5 : memref<512xi32, #tpu.memory_space<hbm>>) target(%arg8 : memref<512xi32, #tpu.memory_space<vmem>>) target_semaphore(%arg20 : memref<!tpu.dma_semaphore, #tpu.memory_space<semaphore_mem>>)
    %eq3A = arith.constant 0 : i32
    %eq3A_6 = arith.cmpi eq, %arg1, %eq3A : i32
    %convert_element_type3A = arith.extui %eq3A_6 : i1 to i32
    %cond3A = arith.constant 0 : i32
    %cond3A_7 = arith.cmpi ne, %convert_element_type3A, %cond3A : i32
    scf.if %cond3A_7 {
      tpu.enqueue_dma source(%arg4 : memref<480x128xf32, #tpu.memory_space<hbm>>) target(%arg10 : memref<480x128xf32, #tpu.memory_space<vmem_shared>>) target_semaphore(%arg21 : memref<!tpu.dma_semaphore, #tpu.memory_space<semaphore_mem>>)
    } else {
    }
    %dma_wait3A = tpu.memref_slice %arg2[%mul3A_2] : memref<16384xi32, #tpu.memory_space<hbm>> -> memref<512xi32, #tpu.memory_space<hbm>>
    %dma_wait3A_8 = tpu.memref_slice %arg2[%mul3A_2] : memref<16384xi32, #tpu.memory_space<hbm>> -> memref<512xi32, #tpu.memory_space<hbm>>
    tpu.wait_dma2 semaphore(%arg19 : memref<!tpu.dma_semaphore, #tpu.memory_space<semaphore_mem>>) src(%dma_wait3A_8 : memref<512xi32, #tpu.memory_space<hbm>>) dst(%arg7 : memref<512xi32, #tpu.memory_space<vmem>>)
    %dma_wait3A_9 = tpu.memref_slice %arg3[%mul3A_2] : memref<16384xi32, #tpu.memory_space<hbm>> -> memref<512xi32, #tpu.memory_space<hbm>>
    %dma_wait3A_10 = tpu.memref_slice %arg3[%mul3A_2] : memref<16384xi32, #tpu.memory_space<hbm>> -> memref<512xi32, #tpu.memory_space<hbm>>
    tpu.wait_dma2 semaphore(%arg20 : memref<!tpu.dma_semaphore, #tpu.memory_space<semaphore_mem>>) src(%dma_wait3A_10 : memref<512xi32, #tpu.memory_space<hbm>>) dst(%arg8 : memref<512xi32, #tpu.memory_space<vmem>>)
    %get3A = arith.constant 0 : index
    %get3A_11 = tpu.vector_load %arg8[%get3A] {strides = array<i32>} : memref<512xi32, #tpu.memory_space<vmem>>, vector<16xi32>,
    %get3A_12 = vector.shape_cast %get3A_11 : vector<16xi32> to vector<16xi32>
    %mul3A_13 = arith.constant 120 : i32
    %mul3A_14 = vector.broadcast %mul3A_13 : i32 to vector<16xi32>
    %mul3A_15 = arith.muli %get3A_12, %mul3A_14 : vector<16xi32>
    %get3A_16 = arith.constant 0 : index
    %get3A_17 = tpu.vector_load %arg7[%get3A_16] {strides = array<i32>} : memref<512xi32, #tpu.memory_space<vmem>>, vector<16xi32>,
    %get3A_18 = vector.shape_cast %get3A_17 : vector<16xi32> to vector<16xi32>
    %add3A_19 = arith.addi %mul3A_15, %get3A_18 : vector<16xi32>
    %swap3A = arith.constant 0 : i32
    %swap3A_20 = arith.index_cast %swap3A : i32 to index
    %swap3A_21 = arith.constant 0 : index
    %swap3A_22 = tpu.vector_load %arg6[%swap3A_20, %swap3A_21] {strides = array<i32>} : memref<8x64xi32, #tpu.memory_space<vmem>>, vector<1x16xi32>,
    %swap3A_23 = vector.shape_cast %swap3A_22 : vector<1x16xi32> to vector<16xi32>
    %swap3A_24 = vector.shape_cast %add3A_19 : vector<16xi32> to vector<1x16xi32>
    tpu.vector_store %arg6[%swap3A_20, %swap3A_21], %swap3A_24 {strides = array<i32>} : memref<8x64xi32, #tpu.memory_space<vmem>>, vector<1x16xi32>,
    %get3A_25 = arith.constant 16 : index
    %get3A_26 = tpu.vector_load %arg8[%get3A_25] {strides = array<i32>} : memref<512xi32, #tpu.memory_space<vmem>>, vector<16xi32>,
    %get3A_27 = vector.shape_cast %get3A_26 : vector<16xi32> to vector<16xi32>
    %mul3A_28 = arith.constant 120 : i32
    %mul3A_29 = vector.broadcast %mul3A_28 : i32 to vector<16xi32>
    %mul3A_30 = arith.muli %get3A_27, %mul3A_29 : vector<16xi32>
    %get3A_31 = arith.constant 16 : index
    %get3A_32 = tpu.vector_load %arg7[%get3A_31] {strides = array<i32>} : memref<512xi32, #tpu.memory_space<vmem>>, vector<16xi32>,
    %get3A_33 = vector.shape_cast %get3A_32 : vector<16xi32> to vector<16xi32>
    %add3A_34 = arith.addi %mul3A_30, %get3A_33 : vector<16xi32>
    %swap3A_35 = arith.constant 0 : i32
    %swap3A_36 = arith.index_cast %swap3A_35 : i32 to index
    %swap3A_37 = arith.constant 16 : index
    %swap3A_38 = tpu.vector_load %arg6[%swap3A_36, %swap3A_37] {strides = array<i32>} : memref<8x64xi32, #tpu.memory_space<vmem>>, vector<1x16xi32>,
    %swap3A_39 = vector.shape_cast %swap3A_38 : vector<1x16xi32> to vector<16xi32>
    %swap3A_40 = vector.shape_cast %add3A_34 : vector<16xi32> to vector<1x16xi32>
    tpu.vector_store %arg6[%swap3A_36, %swap3A_37], %swap3A_40 {strides = array<i32>} : memref<8x64xi32, #tpu.memory_space<vmem>>, vector<1x16xi32>,
    %get3A_41 = arith.constant 32 : index
    %get3A_42 = tpu.vector_load %arg8[%get3A_41] {strides = array<i32>} : memref<512xi32, #tpu.memory_space<vmem>>, vector<16xi32>,
    %get3A_43 = vector.shape_cast %get3A_42 : vector<16xi32> to vector<16xi32>
    %mul3A_44 = arith.constant 120 : i32
    %mul3A_45 = vector.broadcast %mul3A_44 : i32 to vector<16xi32>
    %mul3A_46 = arith.muli %get3A_43, %mul3A_45 : vector<16xi32>
    %get3A_47 = arith.constant 32 : index
    %get3A_48 = tpu.vector_load %arg7[%get3A_47] {strides = array<i32>} : memref<512xi32, #tpu.memory_space<vmem>>, vector<16xi32>,
    %get3A_49 = vector.shape_cast %get3A_48 : vector<16xi32> to vector<16xi32>
    %add3A_50 = arith.addi %mul3A_46, %get3A_49 : vector<16xi32>
    %swap3A_51 = arith.constant 0 : i32
    %swap3A_52 = arith.index_cast %swap3A_51 : i32 to index
    %swap3A_53 = arith.constant 32 : index
    %swap3A_54 = tpu.vector_load %arg6[%swap3A_52, %swap3A_53] {strides = array<i32>} : memref<8x64xi32, #tpu.memory_space<vmem>>, vector<1x16xi32>,
    %swap3A_55 = vector.shape_cast %swap3A_54 : vector<1x16xi32> to vector<16xi32>
    %swap3A_56 = vector.shape_cast %add3A_50 : vector<16xi32> to vector<1x16xi32>
    tpu.vector_store %arg6[%swap3A_52, %swap3A_53], %swap3A_56 {strides = array<i32>} : memref<8x64xi32, #tpu.memory_space<vmem>>, vector<1x16xi32>,
    %get3A_57 = arith.constant 48 : index
    %get3A_58 = tpu.vector_load %arg8[%get3A_57] {strides = array<i32>} : memref<512xi32, #tpu.memory_space<vmem>>, vector<16xi32>,
    %get3A_59 = vector.shape_cast %get3A_58 : vector<16xi32> to vector<16xi32>
    %mul3A_60 = arith.constant 120 : i32
    %mul3A_61 = vector.broadcast %mul3A_60 : i32 to vector<16xi32>
    %mul3A_62 = arith.muli %get3A_59, %mul3A_61 : vector<16xi32>
    %get3A_63 = arith.constant 48 : index
    %get3A_64 = tpu.vector_load %arg7[%get3A_63] {strides = array<i32>} : memref<512xi32, #tpu.memory_space<vmem>>, vector<16xi32>,
    %get3A_65 = vector.shape_cast %get3A_64 : vector<16xi32> to vector<16xi32>
    %add3A_66 = arith.addi %mul3A_62, %get3A_65 : vector<16xi32>
    %swap3A_67 = arith.constant 0 : i32
    %swap3A_68 = arith.index_cast %swap3A_67 : i32 to index
    %swap3A_69 = arith.constant 48 : index
    %swap3A_70 = tpu.vector_load %arg6[%swap3A_68, %swap3A_69] {strides = array<i32>} : memref<8x64xi32, #tpu.memory_space<vmem>>, vector<1x16xi32>,
    %swap3A_71 = vector.shape_cast %swap3A_70 : vector<1x16xi32> to vector<16xi32>
    %swap3A_72 = vector.shape_cast %add3A_66 : vector<16xi32> to vector<1x16xi32>
    tpu.vector_store %arg6[%swap3A_68, %swap3A_69], %swap3A_72 {strides = array<i32>} : memref<8x64xi32, #tpu.memory_space<vmem>>, vector<1x16xi32>,
    %eq3A_73 = arith.constant 0 : i32
    %eq3A_74 = arith.cmpi eq, %arg1, %eq3A_73 : i32
    %convert_element_type3A_75 = arith.extui %eq3A_74 : i1 to i32
    %cond3A_76 = arith.constant 0 : i32
    %cond3A_77 = arith.cmpi ne, %convert_element_type3A_75, %cond3A_76 : i32
    scf.if %cond3A_77 {
      tpu.wait_dma2 semaphore(%arg21 : memref<!tpu.dma_semaphore, #tpu.memory_space<semaphore_mem>>) src(%arg4 : memref<480x128xf32, #tpu.memory_space<hbm>>) dst(%arg10 : memref<480x128xf32, #tpu.memory_space<vmem_shared>>)
    } else {
    }
    %barrier3A = arith.constant 0 : index
    tpu.barrier barrier_id(%barrier3A)
    %dma_start3A_78 = arith.constant 0 : i32
    %dma_start3A_79 = arith.constant 0 : i32
    %dma_start3A_80 = arith.constant 0 : i32
    %dma_start3A_81 = arith.constant 0 : i32
    %dma_start3A_82 = tpu.memref_slice %arg9[%dma_start3A_79, %dma_start3A_80, %dma_start3A_81] : memref<8x64x128xf32, #tpu.memory_space<vmem>> -> memref<1x64x128xf32, #tpu.memory_space<vmem>>
    %dma_start3A_83 = tpu.memref_squeeze %dma_start3A_82 : memref<1x64x128xf32, #tpu.memory_space<vmem>> -> memref<64x128xf32, #tpu.memory_space<vmem>>
    %dma_start3A_84 = arith.constant 0 : i32
    %dma_start3A_85 = tpu.memref_slice %arg6[%dma_start3A_78, %dma_start3A_84] : memref<8x64xi32, #tpu.memory_space<vmem>> -> memref<1x64xi32, #tpu.memory_space<vmem>>
    %dma_start3A_86 = tpu.memref_squeeze %dma_start3A_85 : memref<1x64xi32, #tpu.memory_space<vmem>> -> memref<64xi32, #tpu.memory_space<vmem>>
    %dma_start3A_87 = arith.constant 0 : i32
    %dma_start3A_88 = arith.constant 0 : i32
    %dma_start3A_89 = tpu.memref_slice %arg10[%dma_start3A_87, %dma_start3A_88] : memref<480x128xf32, #tpu.memory_space<vmem_shared>> -> memref<480x128xf32, #tpu.memory_space<vmem_shared>>
    tpu.enqueue_indirect_dma source(%dma_start3A_89 : memref<480x128xf32, #tpu.memory_space<vmem_shared>>) target(%dma_start3A_83 : memref<64x128xf32, #tpu.memory_space<vmem>>) offsets(%dma_start3A_86 : memref<64xi32, #tpu.memory_space<vmem>>) semaphore(%arg11 : memref<!tpu.dma_semaphore, #tpu.memory_space<semaphore_mem>>)
    %get3A_90 = arith.constant 64 : index
    %get3A_91 = tpu.vector_load %arg8[%get3A_90] {strides = array<i32>} : memref<512xi32, #tpu.memory_space<vmem>>, vector<16xi32>,
    %get3A_92 = vector.shape_cast %get3A_91 : vector<16xi32> to vector<16xi32>
    %mul3A_93 = arith.constant 120 : i32
    %mul3A_94 = vector.broadcast %mul3A_93 : i32 to vector<16xi32>
    %mul3A_95 = arith.muli %get3A_92, %mul3A_94 : vector<16xi32>
    %get3A_96 = arith.constant 64 : index
    %get3A_97 = tpu.vector_load %arg7[%get3A_96] {strides = array<i32>} : memref<512xi32, #tpu.memory_space<vmem>>, vector<16xi32>,
    %get3A_98 = vector.shape_cast %get3A_97 : vector<16xi32> to vector<16xi32>
    %add3A_99 = arith.addi %mul3A_95, %get3A_98 : vector<16xi32>
    %swap3A_100 = arith.constant 1 : i32
    %swap3A_101 = arith.index_cast %swap3A_100 : i32 to index
    %swap3A_102 = arith.constant 0 : index
    %swap3A_103 = tpu.vector_load %arg6[%swap3A_101, %swap3A_102] {strides = array<i32>} : memref<8x64xi32, #tpu.memory_space<vmem>>, vector<1x16xi32>,
    %swap3A_104 = vector.shape_cast %swap3A_103 : vector<1x16xi32> to vector<16xi32>
    %swap3A_105 = vector.shape_cast %add3A_99 : vector<16xi32> to vector<1x16xi32>
    tpu.vector_store %arg6[%swap3A_101, %swap3A_102], %swap3A_105 {strides = array<i32>} : memref<8x64xi32, #tpu.memory_space<vmem>>, vector<1x16xi32>,
    %get3A_106 = arith.constant 80 : index
    %get3A_107 = tpu.vector_load %arg8[%get3A_106] {strides = array<i32>} : memref<512xi32, #tpu.memory_space<vmem>>, vector<16xi32>,
    %get3A_108 = vector.shape_cast %get3A_107 : vector<16xi32> to vector<16xi32>
    %mul3A_109 = arith.constant 120 : i32
    %mul3A_110 = vector.broadcast %mul3A_109 : i32 to vector<16xi32>
    %mul3A_111 = arith.muli %get3A_108, %mul3A_110 : vector<16xi32>
    %get3A_112 = arith.constant 80 : index
    %get3A_113 = tpu.vector_load %arg7[%get3A_112] {strides = array<i32>} : memref<512xi32, #tpu.memory_space<vmem>>, vector<16xi32>,
    %get3A_114 = vector.shape_cast %get3A_113 : vector<16xi32> to vector<16xi32>
    %add3A_115 = arith.addi %mul3A_111, %get3A_114 : vector<16xi32>
    %swap3A_116 = arith.constant 1 : i32
    %swap3A_117 = arith.index_cast %swap3A_116 : i32 to index
    %swap3A_118 = arith.constant 16 : index
    %swap3A_119 = tpu.vector_load %arg6[%swap3A_117, %swap3A_118] {strides = array<i32>} : memref<8x64xi32, #tpu.memory_space<vmem>>, vector<1x16xi32>,
    %swap3A_120 = vector.shape_cast %swap3A_119 : vector<1x16xi32> to vector<16xi32>
    %swap3A_121 = vector.shape_cast %add3A_115 : vector<16xi32> to vector<1x16xi32>
    tpu.vector_store %arg6[%swap3A_117, %swap3A_118], %swap3A_121 {strides = array<i32>} : memref<8x64xi32, #tpu.memory_space<vmem>>, vector<1x16xi32>,
    %get3A_122 = arith.constant 96 : index
    %get3A_123 = tpu.vector_load %arg8[%get3A_122] {strides = array<i32>} : memref<512xi32, #tpu.memory_space<vmem>>, vector<16xi32>,
    %get3A_124 = vector.shape_cast %get3A_123 : vector<16xi32> to vector<16xi32>
    %mul3A_125 = arith.constant 120 : i32
    %mul3A_126 = vector.broadcast %mul3A_125 : i32 to vector<16xi32>
    %mul3A_127 = arith.muli %get3A_124, %mul3A_126 : vector<16xi32>
    %get3A_128 = arith.constant 96 : index
    %get3A_129 = tpu.vector_load %arg7[%get3A_128] {strides = array<i32>} : memref<512xi32, #tpu.memory_space<vmem>>, vector<16xi32>,
    %get3A_130 = vector.shape_cast %get3A_129 : vector<16xi32> to vector<16xi32>
    %add3A_131 = arith.addi %mul3A_127, %get3A_130 : vector<16xi32>
    %swap3A_132 = arith.constant 1 : i32
    %swap3A_133 = arith.index_cast %swap3A_132 : i32 to index
    %swap3A_134 = arith.constant 32 : index
    %swap3A_135 = tpu.vector_load %arg6[%swap3A_133, %swap3A_134] {strides = array<i32>} : memref<8x64xi32, #tpu.memory_space<vmem>>, vector<1x16xi32>,
    %swap3A_136 = vector.shape_cast %swap3A_135 : vector<1x16xi32> to vector<16xi32>
    %swap3A_137 = vector.shape_cast %add3A_131 : vector<16xi32> to vector<1x16xi32>
    tpu.vector_store %arg6[%swap3A_133, %swap3A_134], %swap3A_137 {strides = array<i32>} : memref<8x64xi32, #tpu.memory_space<vmem>>, vector<1x16xi32>,
    %get3A_138 = arith.constant 112 : index
    %get3A_139 = tpu.vector_load %arg8[%get3A_138] {strides = array<i32>} : memref<512xi32, #tpu.memory_space<vmem>>, vector<16xi32>,
    %get3A_140 = vector.shape_cast %get3A_139 : vector<16xi32> to vector<16xi32>
    %mul3A_141 = arith.constant 120 : i32
    %mul3A_142 = vector.broadcast %mul3A_141 : i32 to vector<16xi32>
    %mul3A_143 = arith.muli %get3A_140, %mul3A_142 : vector<16xi32>
    %get3A_144 = arith.constant 112 : index
    %get3A_145 = tpu.vector_load %arg7[%get3A_144] {strides = array<i32>} : memref<512xi32, #tpu.memory_space<vmem>>, vector<16xi32>,
    %get3A_146 = vector.shape_cast %get3A_145 : vector<16xi32> to vector<16xi32>
    %add3A_147 = arith.addi %mul3A_143, %get3A_146 : vector<16xi32>
    %swap3A_148 = arith.constant 1 : i32
    %swap3A_149 = arith.index_cast %swap3A_148 : i32 to index
    %swap3A_150 = arith.constant 48 : index
    %swap3A_151 = tpu.vector_load %arg6[%swap3A_149, %swap3A_150] {strides = array<i32>} : memref<8x64xi32, #tpu.memory_space<vmem>>, vector<1x16xi32>,
    %swap3A_152 = vector.shape_cast %swap3A_151 : vector<1x16xi32> to vector<16xi32>
    %swap3A_153 = vector.shape_cast %add3A_147 : vector<16xi32> to vector<1x16xi32>
    tpu.vector_store %arg6[%swap3A_149, %swap3A_150], %swap3A_153 {strides = array<i32>} : memref<8x64xi32, #tpu.memory_space<vmem>>, vector<1x16xi32>,
    %dma_start3A_154 = arith.constant 1 : i32
    %dma_start3A_155 = arith.constant 1 : i32
    %dma_start3A_156 = arith.constant 0 : i32
    %dma_start3A_157 = arith.constant 0 : i32
    %dma_start3A_158 = tpu.memref_slice %arg9[%dma_start3A_155, %dma_start3A_156, %dma_start3A_157] : memref<8x64x128xf32, #tpu.memory_space<vmem>> -> memref<1x64x128xf32, #tpu.memory_space<vmem>>
    %dma_start3A_159 = tpu.memref_squeeze %dma_start3A_158 : memref<1x64x128xf32, #tpu.memory_space<vmem>> -> memref<64x128xf32, #tpu.memory_space<vmem>>
    %dma_start3A_160 = arith.constant 0 : i32
    %dma_start3A_161 = tpu.memref_slice %arg6[%dma_start3A_154, %dma_start3A_160] : memref<8x64xi32, #tpu.memory_space<vmem>> -> memref<1x64xi32, #tpu.memory_space<vmem>>
    %dma_start3A_162 = tpu.memref_squeeze %dma_start3A_161 : memref<1x64xi32, #tpu.memory_space<vmem>> -> memref<64xi32, #tpu.memory_space<vmem>>
    %dma_start3A_163 = arith.constant 0 : i32
    %dma_start3A_164 = arith.constant 0 : i32
    %dma_start3A_165 = tpu.memref_slice %arg10[%dma_start3A_163, %dma_start3A_164] : memref<480x128xf32, #tpu.memory_space<vmem_shared>> -> memref<480x128xf32, #tpu.memory_space<vmem_shared>>
    tpu.enqueue_indirect_dma source(%dma_start3A_165 : memref<480x128xf32, #tpu.memory_space<vmem_shared>>) target(%dma_start3A_159 : memref<64x128xf32, #tpu.memory_space<vmem>>) offsets(%dma_start3A_162 : memref<64xi32, #tpu.memory_space<vmem>>) semaphore(%arg12 : memref<!tpu.dma_semaphore, #tpu.memory_space<semaphore_mem>>)
    %get3A_166 = arith.constant 128 : index
    %get3A_167 = tpu.vector_load %arg8[%get3A_166] {strides = array<i32>} : memref<512xi32, #tpu.memory_space<vmem>>, vector<16xi32>,
    %get3A_168 = vector.shape_cast %get3A_167 : vector<16xi32> to vector<16xi32>
    %mul3A_169 = arith.constant 120 : i32
    %mul3A_170 = vector.broadcast %mul3A_169 : i32 to vector<16xi32>
    %mul3A_171 = arith.muli %get3A_168, %mul3A_170 : vector<16xi32>
    %get3A_172 = arith.constant 128 : index
    %get3A_173 = tpu.vector_load %arg7[%get3A_172] {strides = array<i32>} : memref<512xi32, #tpu.memory_space<vmem>>, vector<16xi32>,
    %get3A_174 = vector.shape_cast %get3A_173 : vector<16xi32> to vector<16xi32>
    %add3A_175 = arith.addi %mul3A_171, %get3A_174 : vector<16xi32>
    %swap3A_176 = arith.constant 2 : i32
    %swap3A_177 = arith.index_cast %swap3A_176 : i32 to index
    %swap3A_178 = arith.constant 0 : index
    %swap3A_179 = tpu.vector_load %arg6[%swap3A_177, %swap3A_178] {strides = array<i32>} : memref<8x64xi32, #tpu.memory_space<vmem>>, vector<1x16xi32>,
    %swap3A_180 = vector.shape_cast %swap3A_179 : vector<1x16xi32> to vector<16xi32>
    %swap3A_181 = vector.shape_cast %add3A_175 : vector<16xi32> to vector<1x16xi32>
    tpu.vector_store %arg6[%swap3A_177, %swap3A_178], %swap3A_181 {strides = array<i32>} : memref<8x64xi32, #tpu.memory_space<vmem>>, vector<1x16xi32>,
    %get3A_182 = arith.constant 144 : index
    %get3A_183 = tpu.vector_load %arg8[%get3A_182] {strides = array<i32>} : memref<512xi32, #tpu.memory_space<vmem>>, vector<16xi32>,
    %get3A_184 = vector.shape_cast %get3A_183 : vector<16xi32> to vector<16xi32>
    %mul3A_185 = arith.constant 120 : i32
    %mul3A_186 = vector.broadcast %mul3A_185 : i32 to vector<16xi32>
    %mul3A_187 = arith.muli %get3A_184, %mul3A_186 : vector<16xi32>
    %get3A_188 = arith.constant 144 : index
    %get3A_189 = tpu.vector_load %arg7[%get3A_188] {strides = array<i32>} : memref<512xi32, #tpu.memory_space<vmem>>, vector<16xi32>,
    %get3A_190 = vector.shape_cast %get3A_189 : vector<16xi32> to vector<16xi32>
    %add3A_191 = arith.addi %mul3A_187, %get3A_190 : vector<16xi32>
    %swap3A_192 = arith.constant 2 : i32
    %swap3A_193 = arith.index_cast %swap3A_192 : i32 to index
    %swap3A_194 = arith.constant 16 : index
    %swap3A_195 = tpu.vector_load %arg6[%swap3A_193, %swap3A_194] {strides = array<i32>} : memref<8x64xi32, #tpu.memory_space<vmem>>, vector<1x16xi32>,
    %swap3A_196 = vector.shape_cast %swap3A_195 : vector<1x16xi32> to vector<16xi32>
    %swap3A_197 = vector.shape_cast %add3A_191 : vector<16xi32> to vector<1x16xi32>
    tpu.vector_store %arg6[%swap3A_193, %swap3A_194], %swap3A_197 {strides = array<i32>} : memref<8x64xi32, #tpu.memory_space<vmem>>, vector<1x16xi32>,
    %get3A_198 = arith.constant 160 : index
    %get3A_199 = tpu.vector_load %arg8[%get3A_198] {strides = array<i32>} : memref<512xi32, #tpu.memory_space<vmem>>, vector<16xi32>,
    %get3A_200 = vector.shape_cast %get3A_199 : vector<16xi32> to vector<16xi32>
    %mul3A_201 = arith.constant 120 : i32
    %mul3A_202 = vector.broadcast %mul3A_201 : i32 to vector<16xi32>
    %mul3A_203 = arith.muli %get3A_200, %mul3A_202 : vector<16xi32>
    %get3A_204 = arith.constant 160 : index
    %get3A_205 = tpu.vector_load %arg7[%get3A_204] {strides = array<i32>} : memref<512xi32, #tpu.memory_space<vmem>>, vector<16xi32>,
    %get3A_206 = vector.shape_cast %get3A_205 : vector<16xi32> to vector<16xi32>
    %add3A_207 = arith.addi %mul3A_203, %get3A_206 : vector<16xi32>
    %swap3A_208 = arith.constant 2 : i32
    %swap3A_209 = arith.index_cast %swap3A_208 : i32 to index
    %swap3A_210 = arith.constant 32 : index
    %swap3A_211 = tpu.vector_load %arg6[%swap3A_209, %swap3A_210] {strides = array<i32>} : memref<8x64xi32, #tpu.memory_space<vmem>>, vector<1x16xi32>,
    %swap3A_212 = vector.shape_cast %swap3A_211 : vector<1x16xi32> to vector<16xi32>
    %swap3A_213 = vector.shape_cast %add3A_207 : vector<16xi32> to vector<1x16xi32>
    tpu.vector_store %arg6[%swap3A_209, %swap3A_210], %swap3A_213 {strides = array<i32>} : memref<8x64xi32, #tpu.memory_space<vmem>>, vector<1x16xi32>,
    %get3A_214 = arith.constant 176 : index
    %get3A_215 = tpu.vector_load %arg8[%get3A_214] {strides = array<i32>} : memref<512xi32, #tpu.memory_space<vmem>>, vector<16xi32>,
    %get3A_216 = vector.shape_cast %get3A_215 : vector<16xi32> to vector<16xi32>
    %mul3A_217 = arith.constant 120 : i32
    %mul3A_218 = vector.broadcast %mul3A_217 : i32 to vector<16xi32>
    %mul3A_219 = arith.muli %get3A_216, %mul3A_218 : vector<16xi32>
    %get3A_220 = arith.constant 176 : index
    %get3A_221 = tpu.vector_load %arg7[%get3A_220] {strides = array<i32>} : memref<512xi32, #tpu.memory_space<vmem>>, vector<16xi32>,
    %get3A_222 = vector.shape_cast %get3A_221 : vector<16xi32> to vector<16xi32>
    %add3A_223 = arith.addi %mul3A_219, %get3A_222 : vector<16xi32>
    %swap3A_224 = arith.constant 2 : i32
    %swap3A_225 = arith.index_cast %swap3A_224 : i32 to index
    %swap3A_226 = arith.constant 48 : index
    %swap3A_227 = tpu.vector_load %arg6[%swap3A_225, %swap3A_226] {strides = array<i32>} : memref<8x64xi32, #tpu.memory_space<vmem>>, vector<1x16xi32>,
    %swap3A_228 = vector.shape_cast %swap3A_227 : vector<1x16xi32> to vector<16xi32>
    %swap3A_229 = vector.shape_cast %add3A_223 : vector<16xi32> to vector<1x16xi32>
    tpu.vector_store %arg6[%swap3A_225, %swap3A_226], %swap3A_229 {strides = array<i32>} : memref<8x64xi32, #tpu.memory_space<vmem>>, vector<1x16xi32>,
    %dma_start3A_230 = arith.constant 2 : i32
    %dma_start3A_231 = arith.constant 2 : i32
    %dma_start3A_232 = arith.constant 0 : i32
    %dma_start3A_233 = arith.constant 0 : i32
    %dma_start3A_234 = tpu.memref_slice %arg9[%dma_start3A_231, %dma_start3A_232, %dma_start3A_233] : memref<8x64x128xf32, #tpu.memory_space<vmem>> -> memref<1x64x128xf32, #tpu.memory_space<vmem>>
    %dma_start3A_235 = tpu.memref_squeeze %dma_start3A_234 : memref<1x64x128xf32, #tpu.memory_space<vmem>> -> memref<64x128xf32, #tpu.memory_space<vmem>>
    %dma_start3A_236 = arith.constant 0 : i32
    %dma_start3A_237 = tpu.memref_slice %arg6[%dma_start3A_230, %dma_start3A_236] : memref<8x64xi32, #tpu.memory_space<vmem>> -> memref<1x64xi32, #tpu.memory_space<vmem>>
    %dma_start3A_238 = tpu.memref_squeeze %dma_start3A_237 : memref<1x64xi32, #tpu.memory_space<vmem>> -> memref<64xi32, #tpu.memory_space<vmem>>
    %dma_start3A_239 = arith.constant 0 : i32
    %dma_start3A_240 = arith.constant 0 : i32
    %dma_start3A_241 = tpu.memref_slice %arg10[%dma_start3A_239, %dma_start3A_240] : memref<480x128xf32, #tpu.memory_space<vmem_shared>> -> memref<480x128xf32, #tpu.memory_space<vmem_shared>>
    tpu.enqueue_indirect_dma source(%dma_start3A_241 : memref<480x128xf32, #tpu.memory_space<vmem_shared>>) target(%dma_start3A_235 : memref<64x128xf32, #tpu.memory_space<vmem>>) offsets(%dma_start3A_238 : memref<64xi32, #tpu.memory_space<vmem>>) semaphore(%arg13 : memref<!tpu.dma_semaphore, #tpu.memory_space<semaphore_mem>>)
    %get3A_242 = arith.constant 192 : index
    %get3A_243 = tpu.vector_load %arg8[%get3A_242] {strides = array<i32>} : memref<512xi32, #tpu.memory_space<vmem>>, vector<16xi32>,
    %get3A_244 = vector.shape_cast %get3A_243 : vector<16xi32> to vector<16xi32>
    %mul3A_245 = arith.constant 120 : i32
    %mul3A_246 = vector.broadcast %mul3A_245 : i32 to vector<16xi32>
    %mul3A_247 = arith.muli %get3A_244, %mul3A_246 : vector<16xi32>
    %get3A_248 = arith.constant 192 : index
    %get3A_249 = tpu.vector_load %arg7[%get3A_248] {strides = array<i32>} : memref<512xi32, #tpu.memory_space<vmem>>, vector<16xi32>,
    %get3A_250 = vector.shape_cast %get3A_249 : vector<16xi32> to vector<16xi32>
    %add3A_251 = arith.addi %mul3A_247, %get3A_250 : vector<16xi32>
    %swap3A_252 = arith.constant 3 : i32
    %swap3A_253 = arith.index_cast %swap3A_252 : i32 to index
    %swap3A_254 = arith.constant 0 : index
    %swap3A_255 = tpu.vector_load %arg6[%swap3A_253, %swap3A_254] {strides = array<i32>} : memref<8x64xi32, #tpu.memory_space<vmem>>, vector<1x16xi32>,
    %swap3A_256 = vector.shape_cast %swap3A_255 : vector<1x16xi32> to vector<16xi32>
    %swap3A_257 = vector.shape_cast %add3A_251 : vector<16xi32> to vector<1x16xi32>
    tpu.vector_store %arg6[%swap3A_253, %swap3A_254], %swap3A_257 {strides = array<i32>} : memref<8x64xi32, #tpu.memory_space<vmem>>, vector<1x16xi32>,
    %get3A_258 = arith.constant 208 : index
    %get3A_259 = tpu.vector_load %arg8[%get3A_258] {strides = array<i32>} : memref<512xi32, #tpu.memory_space<vmem>>, vector<16xi32>,
    %get3A_260 = vector.shape_cast %get3A_259 : vector<16xi32> to vector<16xi32>
    %mul3A_261 = arith.constant 120 : i32
    %mul3A_262 = vector.broadcast %mul3A_261 : i32 to vector<16xi32>
    %mul3A_263 = arith.muli %get3A_260, %mul3A_262 : vector<16xi32>
    %get3A_264 = arith.constant 208 : index
    %get3A_265 = tpu.vector_load %arg7[%get3A_264] {strides = array<i32>} : memref<512xi32, #tpu.memory_space<vmem>>, vector<16xi32>,
    %get3A_266 = vector.shape_cast %get3A_265 : vector<16xi32> to vector<16xi32>
    %add3A_267 = arith.addi %mul3A_263, %get3A_266 : vector<16xi32>
    %swap3A_268 = arith.constant 3 : i32
    %swap3A_269 = arith.index_cast %swap3A_268 : i32 to index
    %swap3A_270 = arith.constant 16 : index
    %swap3A_271 = tpu.vector_load %arg6[%swap3A_269, %swap3A_270] {strides = array<i32>} : memref<8x64xi32, #tpu.memory_space<vmem>>, vector<1x16xi32>,
    %swap3A_272 = vector.shape_cast %swap3A_271 : vector<1x16xi32> to vector<16xi32>
    %swap3A_273 = vector.shape_cast %add3A_267 : vector<16xi32> to vector<1x16xi32>
    tpu.vector_store %arg6[%swap3A_269, %swap3A_270], %swap3A_273 {strides = array<i32>} : memref<8x64xi32, #tpu.memory_space<vmem>>, vector<1x16xi32>,
    %get3A_274 = arith.constant 224 : index
    %get3A_275 = tpu.vector_load %arg8[%get3A_274] {strides = array<i32>} : memref<512xi32, #tpu.memory_space<vmem>>, vector<16xi32>,
    %get3A_276 = vector.shape_cast %get3A_275 : vector<16xi32> to vector<16xi32>
    %mul3A_277 = arith.constant 120 : i32
    %mul3A_278 = vector.broadcast %mul3A_277 : i32 to vector<16xi32>
    %mul3A_279 = arith.muli %get3A_276, %mul3A_278 : vector<16xi32>
    %get3A_280 = arith.constant 224 : index
    %get3A_281 = tpu.vector_load %arg7[%get3A_280] {strides = array<i32>} : memref<512xi32, #tpu.memory_space<vmem>>, vector<16xi32>,
    %get3A_282 = vector.shape_cast %get3A_281 : vector<16xi32> to vector<16xi32>
    %add3A_283 = arith.addi %mul3A_279, %get3A_282 : vector<16xi32>
    %swap3A_284 = arith.constant 3 : i32
    %swap3A_285 = arith.index_cast %swap3A_284 : i32 to index
    %swap3A_286 = arith.constant 32 : index
    %swap3A_287 = tpu.vector_load %arg6[%swap3A_285, %swap3A_286] {strides = array<i32>} : memref<8x64xi32, #tpu.memory_space<vmem>>, vector<1x16xi32>,
    %swap3A_288 = vector.shape_cast %swap3A_287 : vector<1x16xi32> to vector<16xi32>
    %swap3A_289 = vector.shape_cast %add3A_283 : vector<16xi32> to vector<1x16xi32>
    tpu.vector_store %arg6[%swap3A_285, %swap3A_286], %swap3A_289 {strides = array<i32>} : memref<8x64xi32, #tpu.memory_space<vmem>>, vector<1x16xi32>,
    %get3A_290 = arith.constant 240 : index
    %get3A_291 = tpu.vector_load %arg8[%get3A_290] {strides = array<i32>} : memref<512xi32, #tpu.memory_space<vmem>>, vector<16xi32>,
    %get3A_292 = vector.shape_cast %get3A_291 : vector<16xi32> to vector<16xi32>
    %mul3A_293 = arith.constant 120 : i32
    %mul3A_294 = vector.broadcast %mul3A_293 : i32 to vector<16xi32>
    %mul3A_295 = arith.muli %get3A_292, %mul3A_294 : vector<16xi32>
    %get3A_296 = arith.constant 240 : index
    %get3A_297 = tpu.vector_load %arg7[%get3A_296] {strides = array<i32>} : memref<512xi32, #tpu.memory_space<vmem>>, vector<16xi32>,
    %get3A_298 = vector.shape_cast %get3A_297 : vector<16xi32> to vector<16xi32>
    %add3A_299 = arith.addi %mul3A_295, %get3A_298 : vector<16xi32>
    %swap3A_300 = arith.constant 3 : i32
    %swap3A_301 = arith.index_cast %swap3A_300 : i32 to index
    %swap3A_302 = arith.constant 48 : index
    %swap3A_303 = tpu.vector_load %arg6[%swap3A_301, %swap3A_302] {strides = array<i32>} : memref<8x64xi32, #tpu.memory_space<vmem>>, vector<1x16xi32>,
    %swap3A_304 = vector.shape_cast %swap3A_303 : vector<1x16xi32> to vector<16xi32>
    %swap3A_305 = vector.shape_cast %add3A_299 : vector<16xi32> to vector<1x16xi32>
    tpu.vector_store %arg6[%swap3A_301, %swap3A_302], %swap3A_305 {strides = array<i32>} : memref<8x64xi32, #tpu.memory_space<vmem>>, vector<1x16xi32>,
    %dma_start3A_306 = arith.constant 3 : i32
    %dma_start3A_307 = arith.constant 3 : i32
    %dma_start3A_308 = arith.constant 0 : i32
    %dma_start3A_309 = arith.constant 0 : i32
    %dma_start3A_310 = tpu.memref_slice %arg9[%dma_start3A_307, %dma_start3A_308, %dma_start3A_309] : memref<8x64x128xf32, #tpu.memory_space<vmem>> -> memref<1x64x128xf32, #tpu.memory_space<vmem>>
    %dma_start3A_311 = tpu.memref_squeeze %dma_start3A_310 : memref<1x64x128xf32, #tpu.memory_space<vmem>> -> memref<64x128xf32, #tpu.memory_space<vmem>>
    %dma_start3A_312 = arith.constant 0 : i32
    %dma_start3A_313 = tpu.memref_slice %arg6[%dma_start3A_306, %dma_start3A_312] : memref<8x64xi32, #tpu.memory_space<vmem>> -> memref<1x64xi32, #tpu.memory_space<vmem>>
    %dma_start3A_314 = tpu.memref_squeeze %dma_start3A_313 : memref<1x64xi32, #tpu.memory_space<vmem>> -> memref<64xi32, #tpu.memory_space<vmem>>
    %dma_start3A_315 = arith.constant 0 : i32
    %dma_start3A_316 = arith.constant 0 : i32
    %dma_start3A_317 = tpu.memref_slice %arg10[%dma_start3A_315, %dma_start3A_316] : memref<480x128xf32, #tpu.memory_space<vmem_shared>> -> memref<480x128xf32, #tpu.memory_space<vmem_shared>>
    tpu.enqueue_indirect_dma source(%dma_start3A_317 : memref<480x128xf32, #tpu.memory_space<vmem_shared>>) target(%dma_start3A_311 : memref<64x128xf32, #tpu.memory_space<vmem>>) offsets(%dma_start3A_314 : memref<64xi32, #tpu.memory_space<vmem>>) semaphore(%arg14 : memref<!tpu.dma_semaphore, #tpu.memory_space<semaphore_mem>>)
    %get3A_318 = arith.constant 256 : index
    %get3A_319 = tpu.vector_load %arg8[%get3A_318] {strides = array<i32>} : memref<512xi32, #tpu.memory_space<vmem>>, vector<16xi32>,
    %get3A_320 = vector.shape_cast %get3A_319 : vector<16xi32> to vector<16xi32>
    %mul3A_321 = arith.constant 120 : i32
    %mul3A_322 = vector.broadcast %mul3A_321 : i32 to vector<16xi32>
    %mul3A_323 = arith.muli %get3A_320, %mul3A_322 : vector<16xi32>
    %get3A_324 = arith.constant 256 : index
    %get3A_325 = tpu.vector_load %arg7[%get3A_324] {strides = array<i32>} : memref<512xi32, #tpu.memory_space<vmem>>, vector<16xi32>,
    %get3A_326 = vector.shape_cast %get3A_325 : vector<16xi32> to vector<16xi32>
    %add3A_327 = arith.addi %mul3A_323, %get3A_326 : vector<16xi32>
    %swap3A_328 = arith.constant 4 : i32
    %swap3A_329 = arith.index_cast %swap3A_328 : i32 to index
    %swap3A_330 = arith.constant 0 : index
    %swap3A_331 = tpu.vector_load %arg6[%swap3A_329, %swap3A_330] {strides = array<i32>} : memref<8x64xi32, #tpu.memory_space<vmem>>, vector<1x16xi32>,
    %swap3A_332 = vector.shape_cast %swap3A_331 : vector<1x16xi32> to vector<16xi32>
    %swap3A_333 = vector.shape_cast %add3A_327 : vector<16xi32> to vector<1x16xi32>
    tpu.vector_store %arg6[%swap3A_329, %swap3A_330], %swap3A_333 {strides = array<i32>} : memref<8x64xi32, #tpu.memory_space<vmem>>, vector<1x16xi32>,
    %get3A_334 = arith.constant 272 : index
    %get3A_335 = tpu.vector_load %arg8[%get3A_334] {strides = array<i32>} : memref<512xi32, #tpu.memory_space<vmem>>, vector<16xi32>,
    %get3A_336 = vector.shape_cast %get3A_335 : vector<16xi32> to vector<16xi32>
    %mul3A_337 = arith.constant 120 : i32
    %mul3A_338 = vector.broadcast %mul3A_337 : i32 to vector<16xi32>
    %mul3A_339 = arith.muli %get3A_336, %mul3A_338 : vector<16xi32>
    %get3A_340 = arith.constant 272 : index
    %get3A_341 = tpu.vector_load %arg7[%get3A_340] {strides = array<i32>} : memref<512xi32, #tpu.memory_space<vmem>>, vector<16xi32>,
    %get3A_342 = vector.shape_cast %get3A_341 : vector<16xi32> to vector<16xi32>
    %add3A_343 = arith.addi %mul3A_339, %get3A_342 : vector<16xi32>
    %swap3A_344 = arith.constant 4 : i32
    %swap3A_345 = arith.index_cast %swap3A_344 : i32 to index
    %swap3A_346 = arith.constant 16 : index
    %swap3A_347 = tpu.vector_load %arg6[%swap3A_345, %swap3A_346] {strides = array<i32>} : memref<8x64xi32, #tpu.memory_space<vmem>>, vector<1x16xi32>,
    %swap3A_348 = vector.shape_cast %swap3A_347 : vector<1x16xi32> to vector<16xi32>
    %swap3A_349 = vector.shape_cast %add3A_343 : vector<16xi32> to vector<1x16xi32>
    tpu.vector_store %arg6[%swap3A_345, %swap3A_346], %swap3A_349 {strides = array<i32>} : memref<8x64xi32, #tpu.memory_space<vmem>>, vector<1x16xi32>,
    %get3A_350 = arith.constant 288 : index
    %get3A_351 = tpu.vector_load %arg8[%get3A_350] {strides = array<i32>} : memref<512xi32, #tpu.memory_space<vmem>>, vector<16xi32>,
    %get3A_352 = vector.shape_cast %get3A_351 : vector<16xi32> to vector<16xi32>
    %mul3A_353 = arith.constant 120 : i32
    %mul3A_354 = vector.broadcast %mul3A_353 : i32 to vector<16xi32>
    %mul3A_355 = arith.muli %get3A_352, %mul3A_354 : vector<16xi32>
    %get3A_356 = arith.constant 288 : index
    %get3A_357 = tpu.vector_load %arg7[%get3A_356] {strides = array<i32>} : memref<512xi32, #tpu.memory_space<vmem>>, vector<16xi32>,
    %get3A_358 = vector.shape_cast %get3A_357 : vector<16xi32> to vector<16xi32>
    %add3A_359 = arith.addi %mul3A_355, %get3A_358 : vector<16xi32>
    %swap3A_360 = arith.constant 4 : i32
    %swap3A_361 = arith.index_cast %swap3A_360 : i32 to index
    %swap3A_362 = arith.constant 32 : index
    %swap3A_363 = tpu.vector_load %arg6[%swap3A_361, %swap3A_362] {strides = array<i32>} : memref<8x64xi32, #tpu.memory_space<vmem>>, vector<1x16xi32>,
    %swap3A_364 = vector.shape_cast %swap3A_363 : vector<1x16xi32> to vector<16xi32>
    %swap3A_365 = vector.shape_cast %add3A_359 : vector<16xi32> to vector<1x16xi32>
    tpu.vector_store %arg6[%swap3A_361, %swap3A_362], %swap3A_365 {strides = array<i32>} : memref<8x64xi32, #tpu.memory_space<vmem>>, vector<1x16xi32>,
    %get3A_366 = arith.constant 304 : index
    %get3A_367 = tpu.vector_load %arg8[%get3A_366] {strides = array<i32>} : memref<512xi32, #tpu.memory_space<vmem>>, vector<16xi32>,
    %get3A_368 = vector.shape_cast %get3A_367 : vector<16xi32> to vector<16xi32>
    %mul3A_369 = arith.constant 120 : i32
    %mul3A_370 = vector.broadcast %mul3A_369 : i32 to vector<16xi32>
    %mul3A_371 = arith.muli %get3A_368, %mul3A_370 : vector<16xi32>
    %get3A_372 = arith.constant 304 : index
    %get3A_373 = tpu.vector_load %arg7[%get3A_372] {strides = array<i32>} : memref<512xi32, #tpu.memory_space<vmem>>, vector<16xi32>,
    %get3A_374 = vector.shape_cast %get3A_373 : vector<16xi32> to vector<16xi32>
    %add3A_375 = arith.addi %mul3A_371, %get3A_374 : vector<16xi32>
    %swap3A_376 = arith.constant 4 : i32
    %swap3A_377 = arith.index_cast %swap3A_376 : i32 to index
    %swap3A_378 = arith.constant 48 : index
    %swap3A_379 = tpu.vector_load %arg6[%swap3A_377, %swap3A_378] {strides = array<i32>} : memref<8x64xi32, #tpu.memory_space<vmem>>, vector<1x16xi32>,
    %swap3A_380 = vector.shape_cast %swap3A_379 : vector<1x16xi32> to vector<16xi32>
    %swap3A_381 = vector.shape_cast %add3A_375 : vector<16xi32> to vector<1x16xi32>
    tpu.vector_store %arg6[%swap3A_377, %swap3A_378], %swap3A_381 {strides = array<i32>} : memref<8x64xi32, #tpu.memory_space<vmem>>, vector<1x16xi32>,
    %dma_start3A_382 = arith.constant 4 : i32
    %dma_start3A_383 = arith.constant 4 : i32
    %dma_start3A_384 = arith.constant 0 : i32
    %dma_start3A_385 = arith.constant 0 : i32
    %dma_start3A_386 = tpu.memref_slice %arg9[%dma_start3A_383, %dma_start3A_384, %dma_start3A_385] : memref<8x64x128xf32, #tpu.memory_space<vmem>> -> memref<1x64x128xf32, #tpu.memory_space<vmem>>
    %dma_start3A_387 = tpu.memref_squeeze %dma_start3A_386 : memref<1x64x128xf32, #tpu.memory_space<vmem>> -> memref<64x128xf32, #tpu.memory_space<vmem>>
    %dma_start3A_388 = arith.constant 0 : i32
    %dma_start3A_389 = tpu.memref_slice %arg6[%dma_start3A_382, %dma_start3A_388] : memref<8x64xi32, #tpu.memory_space<vmem>> -> memref<1x64xi32, #tpu.memory_space<vmem>>
    %dma_start3A_390 = tpu.memref_squeeze %dma_start3A_389 : memref<1x64xi32, #tpu.memory_space<vmem>> -> memref<64xi32, #tpu.memory_space<vmem>>
    %dma_start3A_391 = arith.constant 0 : i32
    %dma_start3A_392 = arith.constant 0 : i32
    %dma_start3A_393 = tpu.memref_slice %arg10[%dma_start3A_391, %dma_start3A_392] : memref<480x128xf32, #tpu.memory_space<vmem_shared>> -> memref<480x128xf32, #tpu.memory_space<vmem_shared>>
    tpu.enqueue_indirect_dma source(%dma_start3A_393 : memref<480x128xf32, #tpu.memory_space<vmem_shared>>) target(%dma_start3A_387 : memref<64x128xf32, #tpu.memory_space<vmem>>) offsets(%dma_start3A_390 : memref<64xi32, #tpu.memory_space<vmem>>) semaphore(%arg15 : memref<!tpu.dma_semaphore, #tpu.memory_space<semaphore_mem>>)
    %get3A_394 = arith.constant 320 : index
    %get3A_395 = tpu.vector_load %arg8[%get3A_394] {strides = array<i32>} : memref<512xi32, #tpu.memory_space<vmem>>, vector<16xi32>,
    %get3A_396 = vector.shape_cast %get3A_395 : vector<16xi32> to vector<16xi32>
    %mul3A_397 = arith.constant 120 : i32
    %mul3A_398 = vector.broadcast %mul3A_397 : i32 to vector<16xi32>
    %mul3A_399 = arith.muli %get3A_396, %mul3A_398 : vector<16xi32>
    %get3A_400 = arith.constant 320 : index
    %get3A_401 = tpu.vector_load %arg7[%get3A_400] {strides = array<i32>} : memref<512xi32, #tpu.memory_space<vmem>>, vector<16xi32>,
    %get3A_402 = vector.shape_cast %get3A_401 : vector<16xi32> to vector<16xi32>
    %add3A_403 = arith.addi %mul3A_399, %get3A_402 : vector<16xi32>
    %swap3A_404 = arith.constant 5 : i32
    %swap3A_405 = arith.index_cast %swap3A_404 : i32 to index
    %swap3A_406 = arith.constant 0 : index
    %swap3A_407 = tpu.vector_load %arg6[%swap3A_405, %swap3A_406] {strides = array<i32>} : memref<8x64xi32, #tpu.memory_space<vmem>>, vector<1x16xi32>,
    %swap3A_408 = vector.shape_cast %swap3A_407 : vector<1x16xi32> to vector<16xi32>
    %swap3A_409 = vector.shape_cast %add3A_403 : vector<16xi32> to vector<1x16xi32>
    tpu.vector_store %arg6[%swap3A_405, %swap3A_406], %swap3A_409 {strides = array<i32>} : memref<8x64xi32, #tpu.memory_space<vmem>>, vector<1x16xi32>,
    %get3A_410 = arith.constant 336 : index
    %get3A_411 = tpu.vector_load %arg8[%get3A_410] {strides = array<i32>} : memref<512xi32, #tpu.memory_space<vmem>>, vector<16xi32>,
    %get3A_412 = vector.shape_cast %get3A_411 : vector<16xi32> to vector<16xi32>
    %mul3A_413 = arith.constant 120 : i32
    %mul3A_414 = vector.broadcast %mul3A_413 : i32 to vector<16xi32>
    %mul3A_415 = arith.muli %get3A_412, %mul3A_414 : vector<16xi32>
    %get3A_416 = arith.constant 336 : index
    %get3A_417 = tpu.vector_load %arg7[%get3A_416] {strides = array<i32>} : memref<512xi32, #tpu.memory_space<vmem>>, vector<16xi32>,
    %get3A_418 = vector.shape_cast %get3A_417 : vector<16xi32> to vector<16xi32>
    %add3A_419 = arith.addi %mul3A_415, %get3A_418 : vector<16xi32>
    %swap3A_420 = arith.constant 5 : i32
    %swap3A_421 = arith.index_cast %swap3A_420 : i32 to index
    %swap3A_422 = arith.constant 16 : index
    %swap3A_423 = tpu.vector_load %arg6[%swap3A_421, %swap3A_422] {strides = array<i32>} : memref<8x64xi32, #tpu.memory_space<vmem>>, vector<1x16xi32>,
    %swap3A_424 = vector.shape_cast %swap3A_423 : vector<1x16xi32> to vector<16xi32>
    %swap3A_425 = vector.shape_cast %add3A_419 : vector<16xi32> to vector<1x16xi32>
    tpu.vector_store %arg6[%swap3A_421, %swap3A_422], %swap3A_425 {strides = array<i32>} : memref<8x64xi32, #tpu.memory_space<vmem>>, vector<1x16xi32>,
    %get3A_426 = arith.constant 352 : index
    %get3A_427 = tpu.vector_load %arg8[%get3A_426] {strides = array<i32>} : memref<512xi32, #tpu.memory_space<vmem>>, vector<16xi32>,
    %get3A_428 = vector.shape_cast %get3A_427 : vector<16xi32> to vector<16xi32>
    %mul3A_429 = arith.constant 120 : i32
    %mul3A_430 = vector.broadcast %mul3A_429 : i32 to vector<16xi32>
    %mul3A_431 = arith.muli %get3A_428, %mul3A_430 : vector<16xi32>
    %get3A_432 = arith.constant 352 : index
    %get3A_433 = tpu.vector_load %arg7[%get3A_432] {strides = array<i32>} : memref<512xi32, #tpu.memory_space<vmem>>, vector<16xi32>,
    %get3A_434 = vector.shape_cast %get3A_433 : vector<16xi32> to vector<16xi32>
    %add3A_435 = arith.addi %mul3A_431, %get3A_434 : vector<16xi32>
    %swap3A_436 = arith.constant 5 : i32
    %swap3A_437 = arith.index_cast %swap3A_436 : i32 to index
    %swap3A_438 = arith.constant 32 : index
    %swap3A_439 = tpu.vector_load %arg6[%swap3A_437, %swap3A_438] {strides = array<i32>} : memref<8x64xi32, #tpu.memory_space<vmem>>, vector<1x16xi32>,
    %swap3A_440 = vector.shape_cast %swap3A_439 : vector<1x16xi32> to vector<16xi32>
    %swap3A_441 = vector.shape_cast %add3A_435 : vector<16xi32> to vector<1x16xi32>
    tpu.vector_store %arg6[%swap3A_437, %swap3A_438], %swap3A_441 {strides = array<i32>} : memref<8x64xi32, #tpu.memory_space<vmem>>, vector<1x16xi32>,
    %get3A_442 = arith.constant 368 : index
    %get3A_443 = tpu.vector_load %arg8[%get3A_442] {strides = array<i32>} : memref<512xi32, #tpu.memory_space<vmem>>, vector<16xi32>,
    %get3A_444 = vector.shape_cast %get3A_443 : vector<16xi32> to vector<16xi32>
    %mul3A_445 = arith.constant 120 : i32
    %mul3A_446 = vector.broadcast %mul3A_445 : i32 to vector<16xi32>
    %mul3A_447 = arith.muli %get3A_444, %mul3A_446 : vector<16xi32>
    %get3A_448 = arith.constant 368 : index
    %get3A_449 = tpu.vector_load %arg7[%get3A_448] {strides = array<i32>} : memref<512xi32, #tpu.memory_space<vmem>>, vector<16xi32>,
    %get3A_450 = vector.shape_cast %get3A_449 : vector<16xi32> to vector<16xi32>
    %add3A_451 = arith.addi %mul3A_447, %get3A_450 : vector<16xi32>
    %swap3A_452 = arith.constant 5 : i32
    %swap3A_453 = arith.index_cast %swap3A_452 : i32 to index
    %swap3A_454 = arith.constant 48 : index
    %swap3A_455 = tpu.vector_load %arg6[%swap3A_453, %swap3A_454] {strides = array<i32>} : memref<8x64xi32, #tpu.memory_space<vmem>>, vector<1x16xi32>,
    %swap3A_456 = vector.shape_cast %swap3A_455 : vector<1x16xi32> to vector<16xi32>
    %swap3A_457 = vector.shape_cast %add3A_451 : vector<16xi32> to vector<1x16xi32>
    tpu.vector_store %arg6[%swap3A_453, %swap3A_454], %swap3A_457 {strides = array<i32>} : memref<8x64xi32, #tpu.memory_space<vmem>>, vector<1x16xi32>,
    %dma_start3A_458 = arith.constant 5 : i32
    %dma_start3A_459 = arith.constant 5 : i32
    %dma_start3A_460 = arith.constant 0 : i32
    %dma_start3A_461 = arith.constant 0 : i32
    %dma_start3A_462 = tpu.memref_slice %arg9[%dma_start3A_459, %dma_start3A_460, %dma_start3A_461] : memref<8x64x128xf32, #tpu.memory_space<vmem>> -> memref<1x64x128xf32, #tpu.memory_space<vmem>>
    %dma_start3A_463 = tpu.memref_squeeze %dma_start3A_462 : memref<1x64x128xf32, #tpu.memory_space<vmem>> -> memref<64x128xf32, #tpu.memory_space<vmem>>
    %dma_start3A_464 = arith.constant 0 : i32
    %dma_start3A_465 = tpu.memref_slice %arg6[%dma_start3A_458, %dma_start3A_464] : memref<8x64xi32, #tpu.memory_space<vmem>> -> memref<1x64xi32, #tpu.memory_space<vmem>>
    %dma_start3A_466 = tpu.memref_squeeze %dma_start3A_465 : memref<1x64xi32, #tpu.memory_space<vmem>> -> memref<64xi32, #tpu.memory_space<vmem>>
    %dma_start3A_467 = arith.constant 0 : i32
    %dma_start3A_468 = arith.constant 0 : i32
    %dma_start3A_469 = tpu.memref_slice %arg10[%dma_start3A_467, %dma_start3A_468] : memref<480x128xf32, #tpu.memory_space<vmem_shared>> -> memref<480x128xf32, #tpu.memory_space<vmem_shared>>
    tpu.enqueue_indirect_dma source(%dma_start3A_469 : memref<480x128xf32, #tpu.memory_space<vmem_shared>>) target(%dma_start3A_463 : memref<64x128xf32, #tpu.memory_space<vmem>>) offsets(%dma_start3A_466 : memref<64xi32, #tpu.memory_space<vmem>>) semaphore(%arg16 : memref<!tpu.dma_semaphore, #tpu.memory_space<semaphore_mem>>)
    %get3A_470 = arith.constant 384 : index
    %get3A_471 = tpu.vector_load %arg8[%get3A_470] {strides = array<i32>} : memref<512xi32, #tpu.memory_space<vmem>>, vector<16xi32>,
    %get3A_472 = vector.shape_cast %get3A_471 : vector<16xi32> to vector<16xi32>
    %mul3A_473 = arith.constant 120 : i32
    %mul3A_474 = vector.broadcast %mul3A_473 : i32 to vector<16xi32>
    %mul3A_475 = arith.muli %get3A_472, %mul3A_474 : vector<16xi32>
    %get3A_476 = arith.constant 384 : index
    %get3A_477 = tpu.vector_load %arg7[%get3A_476] {strides = array<i32>} : memref<512xi32, #tpu.memory_space<vmem>>, vector<16xi32>,
    %get3A_478 = vector.shape_cast %get3A_477 : vector<16xi32> to vector<16xi32>
    %add3A_479 = arith.addi %mul3A_475, %get3A_478 : vector<16xi32>
    %swap3A_480 = arith.constant 6 : i32
    %swap3A_481 = arith.index_cast %swap3A_480 : i32 to index
    %swap3A_482 = arith.constant 0 : index
    %swap3A_483 = tpu.vector_load %arg6[%swap3A_481, %swap3A_482] {strides = array<i32>} : memref<8x64xi32, #tpu.memory_space<vmem>>, vector<1x16xi32>,
    %swap3A_484 = vector.shape_cast %swap3A_483 : vector<1x16xi32> to vector<16xi32>
    %swap3A_485 = vector.shape_cast %add3A_479 : vector<16xi32> to vector<1x16xi32>
    tpu.vector_store %arg6[%swap3A_481, %swap3A_482], %swap3A_485 {strides = array<i32>} : memref<8x64xi32, #tpu.memory_space<vmem>>, vector<1x16xi32>,
    %get3A_486 = arith.constant 400 : index
    %get3A_487 = tpu.vector_load %arg8[%get3A_486] {strides = array<i32>} : memref<512xi32, #tpu.memory_space<vmem>>, vector<16xi32>,
    %get3A_488 = vector.shape_cast %get3A_487 : vector<16xi32> to vector<16xi32>
    %mul3A_489 = arith.constant 120 : i32
    %mul3A_490 = vector.broadcast %mul3A_489 : i32 to vector<16xi32>
    %mul3A_491 = arith.muli %get3A_488, %mul3A_490 : vector<16xi32>
    %get3A_492 = arith.constant 400 : index
    %get3A_493 = tpu.vector_load %arg7[%get3A_492] {strides = array<i32>} : memref<512xi32, #tpu.memory_space<vmem>>, vector<16xi32>,
    %get3A_494 = vector.shape_cast %get3A_493 : vector<16xi32> to vector<16xi32>
    %add3A_495 = arith.addi %mul3A_491, %get3A_494 : vector<16xi32>
    %swap3A_496 = arith.constant 6 : i32
    %swap3A_497 = arith.index_cast %swap3A_496 : i32 to index
    %swap3A_498 = arith.constant 16 : index
    %swap3A_499 = tpu.vector_load %arg6[%swap3A_497, %swap3A_498] {strides = array<i32>} : memref<8x64xi32, #tpu.memory_space<vmem>>, vector<1x16xi32>,
    %swap3A_500 = vector.shape_cast %swap3A_499 : vector<1x16xi32> to vector<16xi32>
    %swap3A_501 = vector.shape_cast %add3A_495 : vector<16xi32> to vector<1x16xi32>
    tpu.vector_store %arg6[%swap3A_497, %swap3A_498], %swap3A_501 {strides = array<i32>} : memref<8x64xi32, #tpu.memory_space<vmem>>, vector<1x16xi32>,
    %get3A_502 = arith.constant 416 : index
    %get3A_503 = tpu.vector_load %arg8[%get3A_502] {strides = array<i32>} : memref<512xi32, #tpu.memory_space<vmem>>, vector<16xi32>,
    %get3A_504 = vector.shape_cast %get3A_503 : vector<16xi32> to vector<16xi32>
    %mul3A_505 = arith.constant 120 : i32
    %mul3A_506 = vector.broadcast %mul3A_505 : i32 to vector<16xi32>
    %mul3A_507 = arith.muli %get3A_504, %mul3A_506 : vector<16xi32>
    %get3A_508 = arith.constant 416 : index
    %get3A_509 = tpu.vector_load %arg7[%get3A_508] {strides = array<i32>} : memref<512xi32, #tpu.memory_space<vmem>>, vector<16xi32>,
    %get3A_510 = vector.shape_cast %get3A_509 : vector<16xi32> to vector<16xi32>
    %add3A_511 = arith.addi %mul3A_507, %get3A_510 : vector<16xi32>
    %swap3A_512 = arith.constant 6 : i32
    %swap3A_513 = arith.index_cast %swap3A_512 : i32 to index
    %swap3A_514 = arith.constant 32 : index
    %swap3A_515 = tpu.vector_load %arg6[%swap3A_513, %swap3A_514] {strides = array<i32>} : memref<8x64xi32, #tpu.memory_space<vmem>>, vector<1x16xi32>,
    %swap3A_516 = vector.shape_cast %swap3A_515 : vector<1x16xi32> to vector<16xi32>
    %swap3A_517 = vector.shape_cast %add3A_511 : vector<16xi32> to vector<1x16xi32>
    tpu.vector_store %arg6[%swap3A_513, %swap3A_514], %swap3A_517 {strides = array<i32>} : memref<8x64xi32, #tpu.memory_space<vmem>>, vector<1x16xi32>,
    %get3A_518 = arith.constant 432 : index
    %get3A_519 = tpu.vector_load %arg8[%get3A_518] {strides = array<i32>} : memref<512xi32, #tpu.memory_space<vmem>>, vector<16xi32>,
    %get3A_520 = vector.shape_cast %get3A_519 : vector<16xi32> to vector<16xi32>
    %mul3A_521 = arith.constant 120 : i32
    %mul3A_522 = vector.broadcast %mul3A_521 : i32 to vector<16xi32>
    %mul3A_523 = arith.muli %get3A_520, %mul3A_522 : vector<16xi32>
    %get3A_524 = arith.constant 432 : index
    %get3A_525 = tpu.vector_load %arg7[%get3A_524] {strides = array<i32>} : memref<512xi32, #tpu.memory_space<vmem>>, vector<16xi32>,
    %get3A_526 = vector.shape_cast %get3A_525 : vector<16xi32> to vector<16xi32>
    %add3A_527 = arith.addi %mul3A_523, %get3A_526 : vector<16xi32>
    %swap3A_528 = arith.constant 6 : i32
    %swap3A_529 = arith.index_cast %swap3A_528 : i32 to index
    %swap3A_530 = arith.constant 48 : index
    %swap3A_531 = tpu.vector_load %arg6[%swap3A_529, %swap3A_530] {strides = array<i32>} : memref<8x64xi32, #tpu.memory_space<vmem>>, vector<1x16xi32>,
    %swap3A_532 = vector.shape_cast %swap3A_531 : vector<1x16xi32> to vector<16xi32>
    %swap3A_533 = vector.shape_cast %add3A_527 : vector<16xi32> to vector<1x16xi32>
    tpu.vector_store %arg6[%swap3A_529, %swap3A_530], %swap3A_533 {strides = array<i32>} : memref<8x64xi32, #tpu.memory_space<vmem>>, vector<1x16xi32>,
    %dma_start3A_534 = arith.constant 6 : i32
    %dma_start3A_535 = arith.constant 6 : i32
    %dma_start3A_536 = arith.constant 0 : i32
    %dma_start3A_537 = arith.constant 0 : i32
    %dma_start3A_538 = tpu.memref_slice %arg9[%dma_start3A_535, %dma_start3A_536, %dma_start3A_537] : memref<8x64x128xf32, #tpu.memory_space<vmem>> -> memref<1x64x128xf32, #tpu.memory_space<vmem>>
    %dma_start3A_539 = tpu.memref_squeeze %dma_start3A_538 : memref<1x64x128xf32, #tpu.memory_space<vmem>> -> memref<64x128xf32, #tpu.memory_space<vmem>>
    %dma_start3A_540 = arith.constant 0 : i32
    %dma_start3A_541 = tpu.memref_slice %arg6[%dma_start3A_534, %dma_start3A_540] : memref<8x64xi32, #tpu.memory_space<vmem>> -> memref<1x64xi32, #tpu.memory_space<vmem>>
    %dma_start3A_542 = tpu.memref_squeeze %dma_start3A_541 : memref<1x64xi32, #tpu.memory_space<vmem>> -> memref<64xi32, #tpu.memory_space<vmem>>
    %dma_start3A_543 = arith.constant 0 : i32
    %dma_start3A_544 = arith.constant 0 : i32
    %dma_start3A_545 = tpu.memref_slice %arg10[%dma_start3A_543, %dma_start3A_544] : memref<480x128xf32, #tpu.memory_space<vmem_shared>> -> memref<480x128xf32, #tpu.memory_space<vmem_shared>>
    tpu.enqueue_indirect_dma source(%dma_start3A_545 : memref<480x128xf32, #tpu.memory_space<vmem_shared>>) target(%dma_start3A_539 : memref<64x128xf32, #tpu.memory_space<vmem>>) offsets(%dma_start3A_542 : memref<64xi32, #tpu.memory_space<vmem>>) semaphore(%arg17 : memref<!tpu.dma_semaphore, #tpu.memory_space<semaphore_mem>>)
    %get3A_546 = arith.constant 448 : index
    %get3A_547 = tpu.vector_load %arg8[%get3A_546] {strides = array<i32>} : memref<512xi32, #tpu.memory_space<vmem>>, vector<16xi32>,
    %get3A_548 = vector.shape_cast %get3A_547 : vector<16xi32> to vector<16xi32>
    %mul3A_549 = arith.constant 120 : i32
    %mul3A_550 = vector.broadcast %mul3A_549 : i32 to vector<16xi32>
    %mul3A_551 = arith.muli %get3A_548, %mul3A_550 : vector<16xi32>
    %get3A_552 = arith.constant 448 : index
    %get3A_553 = tpu.vector_load %arg7[%get3A_552] {strides = array<i32>} : memref<512xi32, #tpu.memory_space<vmem>>, vector<16xi32>,
    %get3A_554 = vector.shape_cast %get3A_553 : vector<16xi32> to vector<16xi32>
    %add3A_555 = arith.addi %mul3A_551, %get3A_554 : vector<16xi32>
    %swap3A_556 = arith.constant 7 : i32
    %swap3A_557 = arith.index_cast %swap3A_556 : i32 to index
    %swap3A_558 = arith.constant 0 : index
    %swap3A_559 = tpu.vector_load %arg6[%swap3A_557, %swap3A_558] {strides = array<i32>} : memref<8x64xi32, #tpu.memory_space<vmem>>, vector<1x16xi32>,
    %swap3A_560 = vector.shape_cast %swap3A_559 : vector<1x16xi32> to vector<16xi32>
    %swap3A_561 = vector.shape_cast %add3A_555 : vector<16xi32> to vector<1x16xi32>
    tpu.vector_store %arg6[%swap3A_557, %swap3A_558], %swap3A_561 {strides = array<i32>} : memref<8x64xi32, #tpu.memory_space<vmem>>, vector<1x16xi32>,
    %get3A_562 = arith.constant 464 : index
    %get3A_563 = tpu.vector_load %arg8[%get3A_562] {strides = array<i32>} : memref<512xi32, #tpu.memory_space<vmem>>, vector<16xi32>,
    %get3A_564 = vector.shape_cast %get3A_563 : vector<16xi32> to vector<16xi32>
    %mul3A_565 = arith.constant 120 : i32
    %mul3A_566 = vector.broadcast %mul3A_565 : i32 to vector<16xi32>
    %mul3A_567 = arith.muli %get3A_564, %mul3A_566 : vector<16xi32>
    %get3A_568 = arith.constant 464 : index
    %get3A_569 = tpu.vector_load %arg7[%get3A_568] {strides = array<i32>} : memref<512xi32, #tpu.memory_space<vmem>>, vector<16xi32>,
    %get3A_570 = vector.shape_cast %get3A_569 : vector<16xi32> to vector<16xi32>
    %add3A_571 = arith.addi %mul3A_567, %get3A_570 : vector<16xi32>
    %swap3A_572 = arith.constant 7 : i32
    %swap3A_573 = arith.index_cast %swap3A_572 : i32 to index
    %swap3A_574 = arith.constant 16 : index
    %swap3A_575 = tpu.vector_load %arg6[%swap3A_573, %swap3A_574] {strides = array<i32>} : memref<8x64xi32, #tpu.memory_space<vmem>>, vector<1x16xi32>,
    %swap3A_576 = vector.shape_cast %swap3A_575 : vector<1x16xi32> to vector<16xi32>
    %swap3A_577 = vector.shape_cast %add3A_571 : vector<16xi32> to vector<1x16xi32>
    tpu.vector_store %arg6[%swap3A_573, %swap3A_574], %swap3A_577 {strides = array<i32>} : memref<8x64xi32, #tpu.memory_space<vmem>>, vector<1x16xi32>,
    %get3A_578 = arith.constant 480 : index
    %get3A_579 = tpu.vector_load %arg8[%get3A_578] {strides = array<i32>} : memref<512xi32, #tpu.memory_space<vmem>>, vector<16xi32>,
    %get3A_580 = vector.shape_cast %get3A_579 : vector<16xi32> to vector<16xi32>
    %mul3A_581 = arith.constant 120 : i32
    %mul3A_582 = vector.broadcast %mul3A_581 : i32 to vector<16xi32>
    %mul3A_583 = arith.muli %get3A_580, %mul3A_582 : vector<16xi32>
    %get3A_584 = arith.constant 480 : index
    %get3A_585 = tpu.vector_load %arg7[%get3A_584] {strides = array<i32>} : memref<512xi32, #tpu.memory_space<vmem>>, vector<16xi32>,
    %get3A_586 = vector.shape_cast %get3A_585 : vector<16xi32> to vector<16xi32>
    %add3A_587 = arith.addi %mul3A_583, %get3A_586 : vector<16xi32>
    %swap3A_588 = arith.constant 7 : i32
    %swap3A_589 = arith.index_cast %swap3A_588 : i32 to index
    %swap3A_590 = arith.constant 32 : index
    %swap3A_591 = tpu.vector_load %arg6[%swap3A_589, %swap3A_590] {strides = array<i32>} : memref<8x64xi32, #tpu.memory_space<vmem>>, vector<1x16xi32>,
    %swap3A_592 = vector.shape_cast %swap3A_591 : vector<1x16xi32> to vector<16xi32>
    %swap3A_593 = vector.shape_cast %add3A_587 : vector<16xi32> to vector<1x16xi32>
    tpu.vector_store %arg6[%swap3A_589, %swap3A_590], %swap3A_593 {strides = array<i32>} : memref<8x64xi32, #tpu.memory_space<vmem>>, vector<1x16xi32>,
    %get3A_594 = arith.constant 496 : index
    %get3A_595 = tpu.vector_load %arg8[%get3A_594] {strides = array<i32>} : memref<512xi32, #tpu.memory_space<vmem>>, vector<16xi32>,
    %get3A_596 = vector.shape_cast %get3A_595 : vector<16xi32> to vector<16xi32>
    %mul3A_597 = arith.constant 120 : i32
    %mul3A_598 = vector.broadcast %mul3A_597 : i32 to vector<16xi32>
    %mul3A_599 = arith.muli %get3A_596, %mul3A_598 : vector<16xi32>
    %get3A_600 = arith.constant 496 : index
    %get3A_601 = tpu.vector_load %arg7[%get3A_600] {strides = array<i32>} : memref<512xi32, #tpu.memory_space<vmem>>, vector<16xi32>,
    %get3A_602 = vector.shape_cast %get3A_601 : vector<16xi32> to vector<16xi32>
    %add3A_603 = arith.addi %mul3A_599, %get3A_602 : vector<16xi32>
    %swap3A_604 = arith.constant 7 : i32
    %swap3A_605 = arith.index_cast %swap3A_604 : i32 to index
    %swap3A_606 = arith.constant 48 : index
    %swap3A_607 = tpu.vector_load %arg6[%swap3A_605, %swap3A_606] {strides = array<i32>} : memref<8x64xi32, #tpu.memory_space<vmem>>, vector<1x16xi32>,
    %swap3A_608 = vector.shape_cast %swap3A_607 : vector<1x16xi32> to vector<16xi32>
    %swap3A_609 = vector.shape_cast %add3A_603 : vector<16xi32> to vector<1x16xi32>
    tpu.vector_store %arg6[%swap3A_605, %swap3A_606], %swap3A_609 {strides = array<i32>} : memref<8x64xi32, #tpu.memory_space<vmem>>, vector<1x16xi32>,
    %dma_start3A_610 = arith.constant 7 : i32
    %dma_start3A_611 = arith.constant 7 : i32
    %dma_start3A_612 = arith.constant 0 : i32
    %dma_start3A_613 = arith.constant 0 : i32
    %dma_start3A_614 = tpu.memref_slice %arg9[%dma_start3A_611, %dma_start3A_612, %dma_start3A_613] : memref<8x64x128xf32, #tpu.memory_space<vmem>> -> memref<1x64x128xf32, #tpu.memory_space<vmem>>
    %dma_start3A_615 = tpu.memref_squeeze %dma_start3A_614 : memref<1x64x128xf32, #tpu.memory_space<vmem>> -> memref<64x128xf32, #tpu.memory_space<vmem>>
    %dma_start3A_616 = arith.constant 0 : i32
    %dma_start3A_617 = tpu.memref_slice %arg6[%dma_start3A_610, %dma_start3A_616] : memref<8x64xi32, #tpu.memory_space<vmem>> -> memref<1x64xi32, #tpu.memory_space<vmem>>
    %dma_start3A_618 = tpu.memref_squeeze %dma_start3A_617 : memref<1x64xi32, #tpu.memory_space<vmem>> -> memref<64xi32, #tpu.memory_space<vmem>>
    %dma_start3A_619 = arith.constant 0 : i32
    %dma_start3A_620 = arith.constant 0 : i32
    %dma_start3A_621 = tpu.memref_slice %arg10[%dma_start3A_619, %dma_start3A_620] : memref<480x128xf32, #tpu.memory_space<vmem_shared>> -> memref<480x128xf32, #tpu.memory_space<vmem_shared>>
    tpu.enqueue_indirect_dma source(%dma_start3A_621 : memref<480x128xf32, #tpu.memory_space<vmem_shared>>) target(%dma_start3A_615 : memref<64x128xf32, #tpu.memory_space<vmem>>) offsets(%dma_start3A_618 : memref<64xi32, #tpu.memory_space<vmem>>) semaphore(%arg18 : memref<!tpu.dma_semaphore, #tpu.memory_space<semaphore_mem>>)
    %dma_wait3A_622 = arith.constant 0 : i32
    %dma_wait3A_623 = arith.constant 0 : i32
    %dma_wait3A_624 = arith.constant 0 : i32
    %dma_wait3A_625 = arith.constant 0 : i32
    %dma_wait3A_626 = tpu.memref_slice %arg9[%dma_wait3A_623, %dma_wait3A_624, %dma_wait3A_625] : memref<8x64x128xf32, #tpu.memory_space<vmem>> -> memref<1x64x128xf32, #tpu.memory_space<vmem>>
    %dma_wait3A_627 = tpu.memref_squeeze %dma_wait3A_626 : memref<1x64x128xf32, #tpu.memory_space<vmem>> -> memref<64x128xf32, #tpu.memory_space<vmem>>
    %dma_wait3A_628 = arith.constant 0 : i32
    %dma_wait3A_629 = tpu.memref_slice %arg6[%dma_wait3A_622, %dma_wait3A_628] : memref<8x64xi32, #tpu.memory_space<vmem>> -> memref<1x64xi32, #tpu.memory_space<vmem>>
    %dma_wait3A_630 = tpu.memref_squeeze %dma_wait3A_629 : memref<1x64xi32, #tpu.memory_space<vmem>> -> memref<64xi32, #tpu.memory_space<vmem>>
    %dma_wait3A_631 = arith.constant 0 : i32
    %dma_wait3A_632 = arith.constant 0 : i32
    %dma_wait3A_633 = tpu.memref_slice %arg10[%dma_wait3A_631, %dma_wait3A_632] : memref<480x128xf32, #tpu.memory_space<vmem_shared>> -> memref<480x128xf32, #tpu.memory_space<vmem_shared>>
    tpu.wait_indirect_dma semaphore(%arg11 : memref<!tpu.dma_semaphore, #tpu.memory_space<semaphore_mem>>) src(%dma_wait3A_633 : memref<480x128xf32, #tpu.memory_space<vmem_shared>>) dst(%dma_wait3A_627 : memref<64x128xf32, #tpu.memory_space<vmem>>)
    %add3A_634 = arith.constant 0 : i32
    %add3A_635 = arith.addi %mul3A_2, %add3A_634 : i32
    %dma_start3A_636 = arith.constant 0 : i32
    %dma_start3A_637 = arith.constant 0 : i32
    %dma_start3A_638 = arith.constant 0 : i32
    %dma_start3A_639 = tpu.memref_slice %arg9[%dma_start3A_636, %dma_start3A_637, %dma_start3A_638] : memref<8x64x128xf32, #tpu.memory_space<vmem>> -> memref<1x64x128xf32, #tpu.memory_space<vmem>>
    %dma_start3A_640 = tpu.memref_squeeze %dma_start3A_639 : memref<1x64x128xf32, #tpu.memory_space<vmem>> -> memref<64x128xf32, #tpu.memory_space<vmem>>
    %dma_start3A_641 = arith.constant 0 : i32
    %dma_start3A_642 = tpu.memref_slice %arg5[%add3A_635, %dma_start3A_641] : memref<16384x128xf32, #tpu.memory_space<hbm>> -> memref<64x128xf32, #tpu.memory_space<hbm>>
    %dma_start3A_643 = arith.constant 0 : i32
    %dma_start3A_644 = tpu.memref_slice %arg5[%add3A_635, %dma_start3A_643] : memref<16384x128xf32, #tpu.memory_space<hbm>> -> memref<64x128xf32, #tpu.memory_space<hbm>>
    %dma_start3A_645 = arith.constant 0 : i32
    %dma_start3A_646 = arith.constant 0 : i32
    %dma_start3A_647 = tpu.memref_slice %arg9[%dma_start3A_636, %dma_start3A_645, %dma_start3A_646] : memref<8x64x128xf32, #tpu.memory_space<vmem>> -> memref<1x64x128xf32, #tpu.memory_space<vmem>>
    %dma_start3A_648 = tpu.memref_squeeze %dma_start3A_647 : memref<1x64x128xf32, #tpu.memory_space<vmem>> -> memref<64x128xf32, #tpu.memory_space<vmem>>
    tpu.enqueue_dma source(%dma_start3A_648 : memref<64x128xf32, #tpu.memory_space<vmem>>) target(%dma_start3A_644 : memref<64x128xf32, #tpu.memory_space<hbm>>) target_semaphore(%arg22 : memref<!tpu.dma_semaphore, #tpu.memory_space<semaphore_mem>>)
    %dma_wait3A_649 = arith.constant 1 : i32
    %dma_wait3A_650 = arith.constant 1 : i32
    %dma_wait3A_651 = arith.constant 0 : i32
    %dma_wait3A_652 = arith.constant 0 : i32
    %dma_wait3A_653 = tpu.memref_slice %arg9[%dma_wait3A_650, %dma_wait3A_651, %dma_wait3A_652] : memref<8x64x128xf32, #tpu.memory_space<vmem>> -> memref<1x64x128xf32, #tpu.memory_space<vmem>>
    %dma_wait3A_654 = tpu.memref_squeeze %dma_wait3A_653 : memref<1x64x128xf32, #tpu.memory_space<vmem>> -> memref<64x128xf32, #tpu.memory_space<vmem>>
    %dma_wait3A_655 = arith.constant 0 : i32
    %dma_wait3A_656 = tpu.memref_slice %arg6[%dma_wait3A_649, %dma_wait3A_655] : memref<8x64xi32, #tpu.memory_space<vmem>> -> memref<1x64xi32, #tpu.memory_space<vmem>>
    %dma_wait3A_657 = tpu.memref_squeeze %dma_wait3A_656 : memref<1x64xi32, #tpu.memory_space<vmem>> -> memref<64xi32, #tpu.memory_space<vmem>>
    %dma_wait3A_658 = arith.constant 0 : i32
    %dma_wait3A_659 = arith.constant 0 : i32
    %dma_wait3A_660 = tpu.memref_slice %arg10[%dma_wait3A_658, %dma_wait3A_659] : memref<480x128xf32, #tpu.memory_space<vmem_shared>> -> memref<480x128xf32, #tpu.memory_space<vmem_shared>>
    tpu.wait_indirect_dma semaphore(%arg12 : memref<!tpu.dma_semaphore, #tpu.memory_space<semaphore_mem>>) src(%dma_wait3A_660 : memref<480x128xf32, #tpu.memory_space<vmem_shared>>) dst(%dma_wait3A_654 : memref<64x128xf32, #tpu.memory_space<vmem>>)
    %add3A_661 = arith.constant 64 : i32
    %add3A_662 = arith.addi %mul3A_2, %add3A_661 : i32
    %dma_start3A_663 = arith.constant 1 : i32
    %dma_start3A_664 = arith.constant 0 : i32
    %dma_start3A_665 = arith.constant 0 : i32
    %dma_start3A_666 = tpu.memref_slice %arg9[%dma_start3A_663, %dma_start3A_664, %dma_start3A_665] : memref<8x64x128xf32, #tpu.memory_space<vmem>> -> memref<1x64x128xf32, #tpu.memory_space<vmem>>
    %dma_start3A_667 = tpu.memref_squeeze %dma_start3A_666 : memref<1x64x128xf32, #tpu.memory_space<vmem>> -> memref<64x128xf32, #tpu.memory_space<vmem>>
    %dma_start3A_668 = arith.constant 0 : i32
    %dma_start3A_669 = tpu.memref_slice %arg5[%add3A_662, %dma_start3A_668] : memref<16384x128xf32, #tpu.memory_space<hbm>> -> memref<64x128xf32, #tpu.memory_space<hbm>>
    %dma_start3A_670 = arith.constant 0 : i32
    %dma_start3A_671 = tpu.memref_slice %arg5[%add3A_662, %dma_start3A_670] : memref<16384x128xf32, #tpu.memory_space<hbm>> -> memref<64x128xf32, #tpu.memory_space<hbm>>
    %dma_start3A_672 = arith.constant 0 : i32
    %dma_start3A_673 = arith.constant 0 : i32
    %dma_start3A_674 = tpu.memref_slice %arg9[%dma_start3A_663, %dma_start3A_672, %dma_start3A_673] : memref<8x64x128xf32, #tpu.memory_space<vmem>> -> memref<1x64x128xf32, #tpu.memory_space<vmem>>
    %dma_start3A_675 = tpu.memref_squeeze %dma_start3A_674 : memref<1x64x128xf32, #tpu.memory_space<vmem>> -> memref<64x128xf32, #tpu.memory_space<vmem>>
    tpu.enqueue_dma source(%dma_start3A_675 : memref<64x128xf32, #tpu.memory_space<vmem>>) target(%dma_start3A_671 : memref<64x128xf32, #tpu.memory_space<hbm>>) target_semaphore(%arg22 : memref<!tpu.dma_semaphore, #tpu.memory_space<semaphore_mem>>)
    %dma_wait3A_676 = arith.constant 2 : i32
    %dma_wait3A_677 = arith.constant 2 : i32
    %dma_wait3A_678 = arith.constant 0 : i32
    %dma_wait3A_679 = arith.constant 0 : i32
    %dma_wait3A_680 = tpu.memref_slice %arg9[%dma_wait3A_677, %dma_wait3A_678, %dma_wait3A_679] : memref<8x64x128xf32, #tpu.memory_space<vmem>> -> memref<1x64x128xf32, #tpu.memory_space<vmem>>
    %dma_wait3A_681 = tpu.memref_squeeze %dma_wait3A_680 : memref<1x64x128xf32, #tpu.memory_space<vmem>> -> memref<64x128xf32, #tpu.memory_space<vmem>>
    %dma_wait3A_682 = arith.constant 0 : i32
    %dma_wait3A_683 = tpu.memref_slice %arg6[%dma_wait3A_676, %dma_wait3A_682] : memref<8x64xi32, #tpu.memory_space<vmem>> -> memref<1x64xi32, #tpu.memory_space<vmem>>
    %dma_wait3A_684 = tpu.memref_squeeze %dma_wait3A_683 : memref<1x64xi32, #tpu.memory_space<vmem>> -> memref<64xi32, #tpu.memory_space<vmem>>
    %dma_wait3A_685 = arith.constant 0 : i32
    %dma_wait3A_686 = arith.constant 0 : i32
    %dma_wait3A_687 = tpu.memref_slice %arg10[%dma_wait3A_685, %dma_wait3A_686] : memref<480x128xf32, #tpu.memory_space<vmem_shared>> -> memref<480x128xf32, #tpu.memory_space<vmem_shared>>
    tpu.wait_indirect_dma semaphore(%arg13 : memref<!tpu.dma_semaphore, #tpu.memory_space<semaphore_mem>>) src(%dma_wait3A_687 : memref<480x128xf32, #tpu.memory_space<vmem_shared>>) dst(%dma_wait3A_681 : memref<64x128xf32, #tpu.memory_space<vmem>>)
    %add3A_688 = arith.constant 128 : i32
    %add3A_689 = arith.addi %mul3A_2, %add3A_688 : i32
    %dma_start3A_690 = arith.constant 2 : i32
    %dma_start3A_691 = arith.constant 0 : i32
    %dma_start3A_692 = arith.constant 0 : i32
    %dma_start3A_693 = tpu.memref_slice %arg9[%dma_start3A_690, %dma_start3A_691, %dma_start3A_692] : memref<8x64x128xf32, #tpu.memory_space<vmem>> -> memref<1x64x128xf32, #tpu.memory_space<vmem>>
    %dma_start3A_694 = tpu.memref_squeeze %dma_start3A_693 : memref<1x64x128xf32, #tpu.memory_space<vmem>> -> memref<64x128xf32, #tpu.memory_space<vmem>>
    %dma_start3A_695 = arith.constant 0 : i32
    %dma_start3A_696 = tpu.memref_slice %arg5[%add3A_689, %dma_start3A_695] : memref<16384x128xf32, #tpu.memory_space<hbm>> -> memref<64x128xf32, #tpu.memory_space<hbm>>
    %dma_start3A_697 = arith.constant 0 : i32
    %dma_start3A_698 = tpu.memref_slice %arg5[%add3A_689, %dma_start3A_697] : memref<16384x128xf32, #tpu.memory_space<hbm>> -> memref<64x128xf32, #tpu.memory_space<hbm>>
    %dma_start3A_699 = arith.constant 0 : i32
    %dma_start3A_700 = arith.constant 0 : i32
    %dma_start3A_701 = tpu.memref_slice %arg9[%dma_start3A_690, %dma_start3A_699, %dma_start3A_700] : memref<8x64x128xf32, #tpu.memory_space<vmem>> -> memref<1x64x128xf32, #tpu.memory_space<vmem>>
    %dma_start3A_702 = tpu.memref_squeeze %dma_start3A_701 : memref<1x64x128xf32, #tpu.memory_space<vmem>> -> memref<64x128xf32, #tpu.memory_space<vmem>>
    tpu.enqueue_dma source(%dma_start3A_702 : memref<64x128xf32, #tpu.memory_space<vmem>>) target(%dma_start3A_698 : memref<64x128xf32, #tpu.memory_space<hbm>>) target_semaphore(%arg22 : memref<!tpu.dma_semaphore, #tpu.memory_space<semaphore_mem>>)
    %dma_wait3A_703 = arith.constant 3 : i32
    %dma_wait3A_704 = arith.constant 3 : i32
    %dma_wait3A_705 = arith.constant 0 : i32
    %dma_wait3A_706 = arith.constant 0 : i32
    %dma_wait3A_707 = tpu.memref_slice %arg9[%dma_wait3A_704, %dma_wait3A_705, %dma_wait3A_706] : memref<8x64x128xf32, #tpu.memory_space<vmem>> -> memref<1x64x128xf32, #tpu.memory_space<vmem>>
    %dma_wait3A_708 = tpu.memref_squeeze %dma_wait3A_707 : memref<1x64x128xf32, #tpu.memory_space<vmem>> -> memref<64x128xf32, #tpu.memory_space<vmem>>
    %dma_wait3A_709 = arith.constant 0 : i32
    %dma_wait3A_710 = tpu.memref_slice %arg6[%dma_wait3A_703, %dma_wait3A_709] : memref<8x64xi32, #tpu.memory_space<vmem>> -> memref<1x64xi32, #tpu.memory_space<vmem>>
    %dma_wait3A_711 = tpu.memref_squeeze %dma_wait3A_710 : memref<1x64xi32, #tpu.memory_space<vmem>> -> memref<64xi32, #tpu.memory_space<vmem>>
    %dma_wait3A_712 = arith.constant 0 : i32
    %dma_wait3A_713 = arith.constant 0 : i32
    %dma_wait3A_714 = tpu.memref_slice %arg10[%dma_wait3A_712, %dma_wait3A_713] : memref<480x128xf32, #tpu.memory_space<vmem_shared>> -> memref<480x128xf32, #tpu.memory_space<vmem_shared>>
    tpu.wait_indirect_dma semaphore(%arg14 : memref<!tpu.dma_semaphore, #tpu.memory_space<semaphore_mem>>) src(%dma_wait3A_714 : memref<480x128xf32, #tpu.memory_space<vmem_shared>>) dst(%dma_wait3A_708 : memref<64x128xf32, #tpu.memory_space<vmem>>)
    %add3A_715 = arith.constant 192 : i32
    %add3A_716 = arith.addi %mul3A_2, %add3A_715 : i32
    %dma_start3A_717 = arith.constant 3 : i32
    %dma_start3A_718 = arith.constant 0 : i32
    %dma_start3A_719 = arith.constant 0 : i32
    %dma_start3A_720 = tpu.memref_slice %arg9[%dma_start3A_717, %dma_start3A_718, %dma_start3A_719] : memref<8x64x128xf32, #tpu.memory_space<vmem>> -> memref<1x64x128xf32, #tpu.memory_space<vmem>>
    %dma_start3A_721 = tpu.memref_squeeze %dma_start3A_720 : memref<1x64x128xf32, #tpu.memory_space<vmem>> -> memref<64x128xf32, #tpu.memory_space<vmem>>
    %dma_start3A_722 = arith.constant 0 : i32
    %dma_start3A_723 = tpu.memref_slice %arg5[%add3A_716, %dma_start3A_722] : memref<16384x128xf32, #tpu.memory_space<hbm>> -> memref<64x128xf32, #tpu.memory_space<hbm>>
    %dma_start3A_724 = arith.constant 0 : i32
    %dma_start3A_725 = tpu.memref_slice %arg5[%add3A_716, %dma_start3A_724] : memref<16384x128xf32, #tpu.memory_space<hbm>> -> memref<64x128xf32, #tpu.memory_space<hbm>>
    %dma_start3A_726 = arith.constant 0 : i32
    %dma_start3A_727 = arith.constant 0 : i32
    %dma_start3A_728 = tpu.memref_slice %arg9[%dma_start3A_717, %dma_start3A_726, %dma_start3A_727] : memref<8x64x128xf32, #tpu.memory_space<vmem>> -> memref<1x64x128xf32, #tpu.memory_space<vmem>>
    %dma_start3A_729 = tpu.memref_squeeze %dma_start3A_728 : memref<1x64x128xf32, #tpu.memory_space<vmem>> -> memref<64x128xf32, #tpu.memory_space<vmem>>
    tpu.enqueue_dma source(%dma_start3A_729 : memref<64x128xf32, #tpu.memory_space<vmem>>) target(%dma_start3A_725 : memref<64x128xf32, #tpu.memory_space<hbm>>) target_semaphore(%arg22 : memref<!tpu.dma_semaphore, #tpu.memory_space<semaphore_mem>>)
    %dma_wait3A_730 = arith.constant 4 : i32
    %dma_wait3A_731 = arith.constant 4 : i32
    %dma_wait3A_732 = arith.constant 0 : i32
    %dma_wait3A_733 = arith.constant 0 : i32
    %dma_wait3A_734 = tpu.memref_slice %arg9[%dma_wait3A_731, %dma_wait3A_732, %dma_wait3A_733] : memref<8x64x128xf32, #tpu.memory_space<vmem>> -> memref<1x64x128xf32, #tpu.memory_space<vmem>>
    %dma_wait3A_735 = tpu.memref_squeeze %dma_wait3A_734 : memref<1x64x128xf32, #tpu.memory_space<vmem>> -> memref<64x128xf32, #tpu.memory_space<vmem>>
    %dma_wait3A_736 = arith.constant 0 : i32
    %dma_wait3A_737 = tpu.memref_slice %arg6[%dma_wait3A_730, %dma_wait3A_736] : memref<8x64xi32, #tpu.memory_space<vmem>> -> memref<1x64xi32, #tpu.memory_space<vmem>>
    %dma_wait3A_738 = tpu.memref_squeeze %dma_wait3A_737 : memref<1x64xi32, #tpu.memory_space<vmem>> -> memref<64xi32, #tpu.memory_space<vmem>>
    %dma_wait3A_739 = arith.constant 0 : i32
    %dma_wait3A_740 = arith.constant 0 : i32
    %dma_wait3A_741 = tpu.memref_slice %arg10[%dma_wait3A_739, %dma_wait3A_740] : memref<480x128xf32, #tpu.memory_space<vmem_shared>> -> memref<480x128xf32, #tpu.memory_space<vmem_shared>>
    tpu.wait_indirect_dma semaphore(%arg15 : memref<!tpu.dma_semaphore, #tpu.memory_space<semaphore_mem>>) src(%dma_wait3A_741 : memref<480x128xf32, #tpu.memory_space<vmem_shared>>) dst(%dma_wait3A_735 : memref<64x128xf32, #tpu.memory_space<vmem>>)
    %add3A_742 = arith.constant 256 : i32
    %add3A_743 = arith.addi %mul3A_2, %add3A_742 : i32
    %dma_start3A_744 = arith.constant 4 : i32
    %dma_start3A_745 = arith.constant 0 : i32
    %dma_start3A_746 = arith.constant 0 : i32
    %dma_start3A_747 = tpu.memref_slice %arg9[%dma_start3A_744, %dma_start3A_745, %dma_start3A_746] : memref<8x64x128xf32, #tpu.memory_space<vmem>> -> memref<1x64x128xf32, #tpu.memory_space<vmem>>
    %dma_start3A_748 = tpu.memref_squeeze %dma_start3A_747 : memref<1x64x128xf32, #tpu.memory_space<vmem>> -> memref<64x128xf32, #tpu.memory_space<vmem>>
    %dma_start3A_749 = arith.constant 0 : i32
    %dma_start3A_750 = tpu.memref_slice %arg5[%add3A_743, %dma_start3A_749] : memref<16384x128xf32, #tpu.memory_space<hbm>> -> memref<64x128xf32, #tpu.memory_space<hbm>>
    %dma_start3A_751 = arith.constant 0 : i32
    %dma_start3A_752 = tpu.memref_slice %arg5[%add3A_743, %dma_start3A_751] : memref<16384x128xf32, #tpu.memory_space<hbm>> -> memref<64x128xf32, #tpu.memory_space<hbm>>
    %dma_start3A_753 = arith.constant 0 : i32
    %dma_start3A_754 = arith.constant 0 : i32
    %dma_start3A_755 = tpu.memref_slice %arg9[%dma_start3A_744, %dma_start3A_753, %dma_start3A_754] : memref<8x64x128xf32, #tpu.memory_space<vmem>> -> memref<1x64x128xf32, #tpu.memory_space<vmem>>
    %dma_start3A_756 = tpu.memref_squeeze %dma_start3A_755 : memref<1x64x128xf32, #tpu.memory_space<vmem>> -> memref<64x128xf32, #tpu.memory_space<vmem>>
    tpu.enqueue_dma source(%dma_start3A_756 : memref<64x128xf32, #tpu.memory_space<vmem>>) target(%dma_start3A_752 : memref<64x128xf32, #tpu.memory_space<hbm>>) target_semaphore(%arg22 : memref<!tpu.dma_semaphore, #tpu.memory_space<semaphore_mem>>)
    %dma_wait3A_757 = arith.constant 5 : i32
    %dma_wait3A_758 = arith.constant 5 : i32
    %dma_wait3A_759 = arith.constant 0 : i32
    %dma_wait3A_760 = arith.constant 0 : i32
    %dma_wait3A_761 = tpu.memref_slice %arg9[%dma_wait3A_758, %dma_wait3A_759, %dma_wait3A_760] : memref<8x64x128xf32, #tpu.memory_space<vmem>> -> memref<1x64x128xf32, #tpu.memory_space<vmem>>
    %dma_wait3A_762 = tpu.memref_squeeze %dma_wait3A_761 : memref<1x64x128xf32, #tpu.memory_space<vmem>> -> memref<64x128xf32, #tpu.memory_space<vmem>>
    %dma_wait3A_763 = arith.constant 0 : i32
    %dma_wait3A_764 = tpu.memref_slice %arg6[%dma_wait3A_757, %dma_wait3A_763] : memref<8x64xi32, #tpu.memory_space<vmem>> -> memref<1x64xi32, #tpu.memory_space<vmem>>
    %dma_wait3A_765 = tpu.memref_squeeze %dma_wait3A_764 : memref<1x64xi32, #tpu.memory_space<vmem>> -> memref<64xi32, #tpu.memory_space<vmem>>
    %dma_wait3A_766 = arith.constant 0 : i32
    %dma_wait3A_767 = arith.constant 0 : i32
    %dma_wait3A_768 = tpu.memref_slice %arg10[%dma_wait3A_766, %dma_wait3A_767] : memref<480x128xf32, #tpu.memory_space<vmem_shared>> -> memref<480x128xf32, #tpu.memory_space<vmem_shared>>
    tpu.wait_indirect_dma semaphore(%arg16 : memref<!tpu.dma_semaphore, #tpu.memory_space<semaphore_mem>>) src(%dma_wait3A_768 : memref<480x128xf32, #tpu.memory_space<vmem_shared>>) dst(%dma_wait3A_762 : memref<64x128xf32, #tpu.memory_space<vmem>>)
    %add3A_769 = arith.constant 320 : i32
    %add3A_770 = arith.addi %mul3A_2, %add3A_769 : i32
    %dma_start3A_771 = arith.constant 5 : i32
    %dma_start3A_772 = arith.constant 0 : i32
    %dma_start3A_773 = arith.constant 0 : i32
    %dma_start3A_774 = tpu.memref_slice %arg9[%dma_start3A_771, %dma_start3A_772, %dma_start3A_773] : memref<8x64x128xf32, #tpu.memory_space<vmem>> -> memref<1x64x128xf32, #tpu.memory_space<vmem>>
    %dma_start3A_775 = tpu.memref_squeeze %dma_start3A_774 : memref<1x64x128xf32, #tpu.memory_space<vmem>> -> memref<64x128xf32, #tpu.memory_space<vmem>>
    %dma_start3A_776 = arith.constant 0 : i32
    %dma_start3A_777 = tpu.memref_slice %arg5[%add3A_770, %dma_start3A_776] : memref<16384x128xf32, #tpu.memory_space<hbm>> -> memref<64x128xf32, #tpu.memory_space<hbm>>
    %dma_start3A_778 = arith.constant 0 : i32
    %dma_start3A_779 = tpu.memref_slice %arg5[%add3A_770, %dma_start3A_778] : memref<16384x128xf32, #tpu.memory_space<hbm>> -> memref<64x128xf32, #tpu.memory_space<hbm>>
    %dma_start3A_780 = arith.constant 0 : i32
    %dma_start3A_781 = arith.constant 0 : i32
    %dma_start3A_782 = tpu.memref_slice %arg9[%dma_start3A_771, %dma_start3A_780, %dma_start3A_781] : memref<8x64x128xf32, #tpu.memory_space<vmem>> -> memref<1x64x128xf32, #tpu.memory_space<vmem>>
    %dma_start3A_783 = tpu.memref_squeeze %dma_start3A_782 : memref<1x64x128xf32, #tpu.memory_space<vmem>> -> memref<64x128xf32, #tpu.memory_space<vmem>>
    tpu.enqueue_dma source(%dma_start3A_783 : memref<64x128xf32, #tpu.memory_space<vmem>>) target(%dma_start3A_779 : memref<64x128xf32, #tpu.memory_space<hbm>>) target_semaphore(%arg22 : memref<!tpu.dma_semaphore, #tpu.memory_space<semaphore_mem>>)
    %dma_wait3A_784 = arith.constant 6 : i32
    %dma_wait3A_785 = arith.constant 6 : i32
    %dma_wait3A_786 = arith.constant 0 : i32
    %dma_wait3A_787 = arith.constant 0 : i32
    %dma_wait3A_788 = tpu.memref_slice %arg9[%dma_wait3A_785, %dma_wait3A_786, %dma_wait3A_787] : memref<8x64x128xf32, #tpu.memory_space<vmem>> -> memref<1x64x128xf32, #tpu.memory_space<vmem>>
    %dma_wait3A_789 = tpu.memref_squeeze %dma_wait3A_788 : memref<1x64x128xf32, #tpu.memory_space<vmem>> -> memref<64x128xf32, #tpu.memory_space<vmem>>
    %dma_wait3A_790 = arith.constant 0 : i32
    %dma_wait3A_791 = tpu.memref_slice %arg6[%dma_wait3A_784, %dma_wait3A_790] : memref<8x64xi32, #tpu.memory_space<vmem>> -> memref<1x64xi32, #tpu.memory_space<vmem>>
    %dma_wait3A_792 = tpu.memref_squeeze %dma_wait3A_791 : memref<1x64xi32, #tpu.memory_space<vmem>> -> memref<64xi32, #tpu.memory_space<vmem>>
    %dma_wait3A_793 = arith.constant 0 : i32
    %dma_wait3A_794 = arith.constant 0 : i32
    %dma_wait3A_795 = tpu.memref_slice %arg10[%dma_wait3A_793, %dma_wait3A_794] : memref<480x128xf32, #tpu.memory_space<vmem_shared>> -> memref<480x128xf32, #tpu.memory_space<vmem_shared>>
    tpu.wait_indirect_dma semaphore(%arg17 : memref<!tpu.dma_semaphore, #tpu.memory_space<semaphore_mem>>) src(%dma_wait3A_795 : memref<480x128xf32, #tpu.memory_space<vmem_shared>>) dst(%dma_wait3A_789 : memref<64x128xf32, #tpu.memory_space<vmem>>)
    %add3A_796 = arith.constant 384 : i32
    %add3A_797 = arith.addi %mul3A_2, %add3A_796 : i32
    %dma_start3A_798 = arith.constant 6 : i32
    %dma_start3A_799 = arith.constant 0 : i32
    %dma_start3A_800 = arith.constant 0 : i32
    %dma_start3A_801 = tpu.memref_slice %arg9[%dma_start3A_798, %dma_start3A_799, %dma_start3A_800] : memref<8x64x128xf32, #tpu.memory_space<vmem>> -> memref<1x64x128xf32, #tpu.memory_space<vmem>>
    %dma_start3A_802 = tpu.memref_squeeze %dma_start3A_801 : memref<1x64x128xf32, #tpu.memory_space<vmem>> -> memref<64x128xf32, #tpu.memory_space<vmem>>
    %dma_start3A_803 = arith.constant 0 : i32
    %dma_start3A_804 = tpu.memref_slice %arg5[%add3A_797, %dma_start3A_803] : memref<16384x128xf32, #tpu.memory_space<hbm>> -> memref<64x128xf32, #tpu.memory_space<hbm>>
    %dma_start3A_805 = arith.constant 0 : i32
    %dma_start3A_806 = tpu.memref_slice %arg5[%add3A_797, %dma_start3A_805] : memref<16384x128xf32, #tpu.memory_space<hbm>> -> memref<64x128xf32, #tpu.memory_space<hbm>>
    %dma_start3A_807 = arith.constant 0 : i32
    %dma_start3A_808 = arith.constant 0 : i32
    %dma_start3A_809 = tpu.memref_slice %arg9[%dma_start3A_798, %dma_start3A_807, %dma_start3A_808] : memref<8x64x128xf32, #tpu.memory_space<vmem>> -> memref<1x64x128xf32, #tpu.memory_space<vmem>>
    %dma_start3A_810 = tpu.memref_squeeze %dma_start3A_809 : memref<1x64x128xf32, #tpu.memory_space<vmem>> -> memref<64x128xf32, #tpu.memory_space<vmem>>
    tpu.enqueue_dma source(%dma_start3A_810 : memref<64x128xf32, #tpu.memory_space<vmem>>) target(%dma_start3A_806 : memref<64x128xf32, #tpu.memory_space<hbm>>) target_semaphore(%arg22 : memref<!tpu.dma_semaphore, #tpu.memory_space<semaphore_mem>>)
    %dma_wait3A_811 = arith.constant 7 : i32
    %dma_wait3A_812 = arith.constant 7 : i32
    %dma_wait3A_813 = arith.constant 0 : i32
    %dma_wait3A_814 = arith.constant 0 : i32
    %dma_wait3A_815 = tpu.memref_slice %arg9[%dma_wait3A_812, %dma_wait3A_813, %dma_wait3A_814] : memref<8x64x128xf32, #tpu.memory_space<vmem>> -> memref<1x64x128xf32, #tpu.memory_space<vmem>>
    %dma_wait3A_816 = tpu.memref_squeeze %dma_wait3A_815 : memref<1x64x128xf32, #tpu.memory_space<vmem>> -> memref<64x128xf32, #tpu.memory_space<vmem>>
    %dma_wait3A_817 = arith.constant 0 : i32
    %dma_wait3A_818 = tpu.memref_slice %arg6[%dma_wait3A_811, %dma_wait3A_817] : memref<8x64xi32, #tpu.memory_space<vmem>> -> memref<1x64xi32, #tpu.memory_space<vmem>>
    %dma_wait3A_819 = tpu.memref_squeeze %dma_wait3A_818 : memref<1x64xi32, #tpu.memory_space<vmem>> -> memref<64xi32, #tpu.memory_space<vmem>>
    %dma_wait3A_820 = arith.constant 0 : i32
    %dma_wait3A_821 = arith.constant 0 : i32
    %dma_wait3A_822 = tpu.memref_slice %arg10[%dma_wait3A_820, %dma_wait3A_821] : memref<480x128xf32, #tpu.memory_space<vmem_shared>> -> memref<480x128xf32, #tpu.memory_space<vmem_shared>>
    tpu.wait_indirect_dma semaphore(%arg18 : memref<!tpu.dma_semaphore, #tpu.memory_space<semaphore_mem>>) src(%dma_wait3A_822 : memref<480x128xf32, #tpu.memory_space<vmem_shared>>) dst(%dma_wait3A_816 : memref<64x128xf32, #tpu.memory_space<vmem>>)
    %add3A_823 = arith.constant 448 : i32
    %add3A_824 = arith.addi %mul3A_2, %add3A_823 : i32
    %dma_start3A_825 = arith.constant 7 : i32
    %dma_start3A_826 = arith.constant 0 : i32
    %dma_start3A_827 = arith.constant 0 : i32
    %dma_start3A_828 = tpu.memref_slice %arg9[%dma_start3A_825, %dma_start3A_826, %dma_start3A_827] : memref<8x64x128xf32, #tpu.memory_space<vmem>> -> memref<1x64x128xf32, #tpu.memory_space<vmem>>
    %dma_start3A_829 = tpu.memref_squeeze %dma_start3A_828 : memref<1x64x128xf32, #tpu.memory_space<vmem>> -> memref<64x128xf32, #tpu.memory_space<vmem>>
    %dma_start3A_830 = arith.constant 0 : i32
    %dma_start3A_831 = tpu.memref_slice %arg5[%add3A_824, %dma_start3A_830] : memref<16384x128xf32, #tpu.memory_space<hbm>> -> memref<64x128xf32, #tpu.memory_space<hbm>>
    %dma_start3A_832 = arith.constant 0 : i32
    %dma_start3A_833 = tpu.memref_slice %arg5[%add3A_824, %dma_start3A_832] : memref<16384x128xf32, #tpu.memory_space<hbm>> -> memref<64x128xf32, #tpu.memory_space<hbm>>
    %dma_start3A_834 = arith.constant 0 : i32
    %dma_start3A_835 = arith.constant 0 : i32
    %dma_start3A_836 = tpu.memref_slice %arg9[%dma_start3A_825, %dma_start3A_834, %dma_start3A_835] : memref<8x64x128xf32, #tpu.memory_space<vmem>> -> memref<1x64x128xf32, #tpu.memory_space<vmem>>
    %dma_start3A_837 = tpu.memref_squeeze %dma_start3A_836 : memref<1x64x128xf32, #tpu.memory_space<vmem>> -> memref<64x128xf32, #tpu.memory_space<vmem>>
    tpu.enqueue_dma source(%dma_start3A_837 : memref<64x128xf32, #tpu.memory_space<vmem>>) target(%dma_start3A_833 : memref<64x128xf32, #tpu.memory_space<hbm>>) target_semaphore(%arg22 : memref<!tpu.dma_semaphore, #tpu.memory_space<semaphore_mem>>)
    %dma_wait3A_838 = arith.constant 0 : i32
    %dma_wait3A_839 = arith.constant 0 : i32
    %dma_wait3A_840 = arith.constant 0 : i32
    %dma_wait3A_841 = tpu.memref_slice %arg9[%dma_wait3A_838, %dma_wait3A_839, %dma_wait3A_840] : memref<8x64x128xf32, #tpu.memory_space<vmem>> -> memref<1x64x128xf32, #tpu.memory_space<vmem>>
    %dma_wait3A_842 = tpu.memref_squeeze %dma_wait3A_841 : memref<1x64x128xf32, #tpu.memory_space<vmem>> -> memref<64x128xf32, #tpu.memory_space<vmem>>
    %dma_wait3A_843 = arith.constant 0 : i32
    %dma_wait3A_844 = tpu.memref_slice %arg5[%add3A_635, %dma_wait3A_843] : memref<16384x128xf32, #tpu.memory_space<hbm>> -> memref<64x128xf32, #tpu.memory_space<hbm>>
    %dma_wait3A_845 = arith.constant 0 : i32
    %dma_wait3A_846 = tpu.memref_slice %arg5[%add3A_635, %dma_wait3A_845] : memref<16384x128xf32, #tpu.memory_space<hbm>> -> memref<64x128xf32, #tpu.memory_space<hbm>>
    %dma_wait3A_847 = arith.constant 0 : i32
    %dma_wait3A_848 = arith.constant 0 : i32
    %dma_wait3A_849 = tpu.memref_slice %arg9[%dma_wait3A_838, %dma_wait3A_847, %dma_wait3A_848] : memref<8x64x128xf32, #tpu.memory_space<vmem>> -> memref<1x64x128xf32, #tpu.memory_space<vmem>>
    %dma_wait3A_850 = tpu.memref_squeeze %dma_wait3A_849 : memref<1x64x128xf32, #tpu.memory_space<vmem>> -> memref<64x128xf32, #tpu.memory_space<vmem>>
    tpu.wait_dma2 semaphore(%arg22 : memref<!tpu.dma_semaphore, #tpu.memory_space<semaphore_mem>>) src(%dma_wait3A_850 : memref<64x128xf32, #tpu.memory_space<vmem>>) dst(%dma_wait3A_846 : memref<64x128xf32, #tpu.memory_space<hbm>>)
    %dma_wait3A_851 = arith.constant 1 : i32
    %dma_wait3A_852 = arith.constant 0 : i32
    %dma_wait3A_853 = arith.constant 0 : i32
    %dma_wait3A_854 = tpu.memref_slice %arg9[%dma_wait3A_851, %dma_wait3A_852, %dma_wait3A_853] : memref<8x64x128xf32, #tpu.memory_space<vmem>> -> memref<1x64x128xf32, #tpu.memory_space<vmem>>
    %dma_wait3A_855 = tpu.memref_squeeze %dma_wait3A_854 : memref<1x64x128xf32, #tpu.memory_space<vmem>> -> memref<64x128xf32, #tpu.memory_space<vmem>>
    %dma_wait3A_856 = arith.constant 0 : i32
    %dma_wait3A_857 = tpu.memref_slice %arg5[%add3A_662, %dma_wait3A_856] : memref<16384x128xf32, #tpu.memory_space<hbm>> -> memref<64x128xf32, #tpu.memory_space<hbm>>
    %dma_wait3A_858 = arith.constant 0 : i32
    %dma_wait3A_859 = tpu.memref_slice %arg5[%add3A_662, %dma_wait3A_858] : memref<16384x128xf32, #tpu.memory_space<hbm>> -> memref<64x128xf32, #tpu.memory_space<hbm>>
    %dma_wait3A_860 = arith.constant 0 : i32
    %dma_wait3A_861 = arith.constant 0 : i32
    %dma_wait3A_862 = tpu.memref_slice %arg9[%dma_wait3A_851, %dma_wait3A_860, %dma_wait3A_861] : memref<8x64x128xf32, #tpu.memory_space<vmem>> -> memref<1x64x128xf32, #tpu.memory_space<vmem>>
    %dma_wait3A_863 = tpu.memref_squeeze %dma_wait3A_862 : memref<1x64x128xf32, #tpu.memory_space<vmem>> -> memref<64x128xf32, #tpu.memory_space<vmem>>
    tpu.wait_dma2 semaphore(%arg22 : memref<!tpu.dma_semaphore, #tpu.memory_space<semaphore_mem>>) src(%dma_wait3A_863 : memref<64x128xf32, #tpu.memory_space<vmem>>) dst(%dma_wait3A_859 : memref<64x128xf32, #tpu.memory_space<hbm>>)
    %dma_wait3A_864 = arith.constant 2 : i32
    %dma_wait3A_865 = arith.constant 0 : i32
    %dma_wait3A_866 = arith.constant 0 : i32
    %dma_wait3A_867 = tpu.memref_slice %arg9[%dma_wait3A_864, %dma_wait3A_865, %dma_wait3A_866] : memref<8x64x128xf32, #tpu.memory_space<vmem>> -> memref<1x64x128xf32, #tpu.memory_space<vmem>>
    %dma_wait3A_868 = tpu.memref_squeeze %dma_wait3A_867 : memref<1x64x128xf32, #tpu.memory_space<vmem>> -> memref<64x128xf32, #tpu.memory_space<vmem>>
    %dma_wait3A_869 = arith.constant 0 : i32
    %dma_wait3A_870 = tpu.memref_slice %arg5[%add3A_689, %dma_wait3A_869] : memref<16384x128xf32, #tpu.memory_space<hbm>> -> memref<64x128xf32, #tpu.memory_space<hbm>>
    %dma_wait3A_871 = arith.constant 0 : i32
    %dma_wait3A_872 = tpu.memref_slice %arg5[%add3A_689, %dma_wait3A_871] : memref<16384x128xf32, #tpu.memory_space<hbm>> -> memref<64x128xf32, #tpu.memory_space<hbm>>
    %dma_wait3A_873 = arith.constant 0 : i32
    %dma_wait3A_874 = arith.constant 0 : i32
    %dma_wait3A_875 = tpu.memref_slice %arg9[%dma_wait3A_864, %dma_wait3A_873, %dma_wait3A_874] : memref<8x64x128xf32, #tpu.memory_space<vmem>> -> memref<1x64x128xf32, #tpu.memory_space<vmem>>
    %dma_wait3A_876 = tpu.memref_squeeze %dma_wait3A_875 : memref<1x64x128xf32, #tpu.memory_space<vmem>> -> memref<64x128xf32, #tpu.memory_space<vmem>>
    tpu.wait_dma2 semaphore(%arg22 : memref<!tpu.dma_semaphore, #tpu.memory_space<semaphore_mem>>) src(%dma_wait3A_876 : memref<64x128xf32, #tpu.memory_space<vmem>>) dst(%dma_wait3A_872 : memref<64x128xf32, #tpu.memory_space<hbm>>)
    %dma_wait3A_877 = arith.constant 3 : i32
    %dma_wait3A_878 = arith.constant 0 : i32
    %dma_wait3A_879 = arith.constant 0 : i32
    %dma_wait3A_880 = tpu.memref_slice %arg9[%dma_wait3A_877, %dma_wait3A_878, %dma_wait3A_879] : memref<8x64x128xf32, #tpu.memory_space<vmem>> -> memref<1x64x128xf32, #tpu.memory_space<vmem>>
    %dma_wait3A_881 = tpu.memref_squeeze %dma_wait3A_880 : memref<1x64x128xf32, #tpu.memory_space<vmem>> -> memref<64x128xf32, #tpu.memory_space<vmem>>
    %dma_wait3A_882 = arith.constant 0 : i32
    %dma_wait3A_883 = tpu.memref_slice %arg5[%add3A_716, %dma_wait3A_882] : memref<16384x128xf32, #tpu.memory_space<hbm>> -> memref<64x128xf32, #tpu.memory_space<hbm>>
    %dma_wait3A_884 = arith.constant 0 : i32
    %dma_wait3A_885 = tpu.memref_slice %arg5[%add3A_716, %dma_wait3A_884] : memref<16384x128xf32, #tpu.memory_space<hbm>> -> memref<64x128xf32, #tpu.memory_space<hbm>>
    %dma_wait3A_886 = arith.constant 0 : i32
    %dma_wait3A_887 = arith.constant 0 : i32
    %dma_wait3A_888 = tpu.memref_slice %arg9[%dma_wait3A_877, %dma_wait3A_886, %dma_wait3A_887] : memref<8x64x128xf32, #tpu.memory_space<vmem>> -> memref<1x64x128xf32, #tpu.memory_space<vmem>>
    %dma_wait3A_889 = tpu.memref_squeeze %dma_wait3A_888 : memref<1x64x128xf32, #tpu.memory_space<vmem>> -> memref<64x128xf32, #tpu.memory_space<vmem>>
    tpu.wait_dma2 semaphore(%arg22 : memref<!tpu.dma_semaphore, #tpu.memory_space<semaphore_mem>>) src(%dma_wait3A_889 : memref<64x128xf32, #tpu.memory_space<vmem>>) dst(%dma_wait3A_885 : memref<64x128xf32, #tpu.memory_space<hbm>>)
    %dma_wait3A_890 = arith.constant 4 : i32
    %dma_wait3A_891 = arith.constant 0 : i32
    %dma_wait3A_892 = arith.constant 0 : i32
    %dma_wait3A_893 = tpu.memref_slice %arg9[%dma_wait3A_890, %dma_wait3A_891, %dma_wait3A_892] : memref<8x64x128xf32, #tpu.memory_space<vmem>> -> memref<1x64x128xf32, #tpu.memory_space<vmem>>
    %dma_wait3A_894 = tpu.memref_squeeze %dma_wait3A_893 : memref<1x64x128xf32, #tpu.memory_space<vmem>> -> memref<64x128xf32, #tpu.memory_space<vmem>>
    %dma_wait3A_895 = arith.constant 0 : i32
    %dma_wait3A_896 = tpu.memref_slice %arg5[%add3A_743, %dma_wait3A_895] : memref<16384x128xf32, #tpu.memory_space<hbm>> -> memref<64x128xf32, #tpu.memory_space<hbm>>
    %dma_wait3A_897 = arith.constant 0 : i32
    %dma_wait3A_898 = tpu.memref_slice %arg5[%add3A_743, %dma_wait3A_897] : memref<16384x128xf32, #tpu.memory_space<hbm>> -> memref<64x128xf32, #tpu.memory_space<hbm>>
    %dma_wait3A_899 = arith.constant 0 : i32
    %dma_wait3A_900 = arith.constant 0 : i32
    %dma_wait3A_901 = tpu.memref_slice %arg9[%dma_wait3A_890, %dma_wait3A_899, %dma_wait3A_900] : memref<8x64x128xf32, #tpu.memory_space<vmem>> -> memref<1x64x128xf32, #tpu.memory_space<vmem>>
    %dma_wait3A_902 = tpu.memref_squeeze %dma_wait3A_901 : memref<1x64x128xf32, #tpu.memory_space<vmem>> -> memref<64x128xf32, #tpu.memory_space<vmem>>
    tpu.wait_dma2 semaphore(%arg22 : memref<!tpu.dma_semaphore, #tpu.memory_space<semaphore_mem>>) src(%dma_wait3A_902 : memref<64x128xf32, #tpu.memory_space<vmem>>) dst(%dma_wait3A_898 : memref<64x128xf32, #tpu.memory_space<hbm>>)
    %dma_wait3A_903 = arith.constant 5 : i32
    %dma_wait3A_904 = arith.constant 0 : i32
    %dma_wait3A_905 = arith.constant 0 : i32
    %dma_wait3A_906 = tpu.memref_slice %arg9[%dma_wait3A_903, %dma_wait3A_904, %dma_wait3A_905] : memref<8x64x128xf32, #tpu.memory_space<vmem>> -> memref<1x64x128xf32, #tpu.memory_space<vmem>>
    %dma_wait3A_907 = tpu.memref_squeeze %dma_wait3A_906 : memref<1x64x128xf32, #tpu.memory_space<vmem>> -> memref<64x128xf32, #tpu.memory_space<vmem>>
    %dma_wait3A_908 = arith.constant 0 : i32
    %dma_wait3A_909 = tpu.memref_slice %arg5[%add3A_770, %dma_wait3A_908] : memref<16384x128xf32, #tpu.memory_space<hbm>> -> memref<64x128xf32, #tpu.memory_space<hbm>>
    %dma_wait3A_910 = arith.constant 0 : i32
    %dma_wait3A_911 = tpu.memref_slice %arg5[%add3A_770, %dma_wait3A_910] : memref<16384x128xf32, #tpu.memory_space<hbm>> -> memref<64x128xf32, #tpu.memory_space<hbm>>
    %dma_wait3A_912 = arith.constant 0 : i32
    %dma_wait3A_913 = arith.constant 0 : i32
    %dma_wait3A_914 = tpu.memref_slice %arg9[%dma_wait3A_903, %dma_wait3A_912, %dma_wait3A_913] : memref<8x64x128xf32, #tpu.memory_space<vmem>> -> memref<1x64x128xf32, #tpu.memory_space<vmem>>
    %dma_wait3A_915 = tpu.memref_squeeze %dma_wait3A_914 : memref<1x64x128xf32, #tpu.memory_space<vmem>> -> memref<64x128xf32, #tpu.memory_space<vmem>>
    tpu.wait_dma2 semaphore(%arg22 : memref<!tpu.dma_semaphore, #tpu.memory_space<semaphore_mem>>) src(%dma_wait3A_915 : memref<64x128xf32, #tpu.memory_space<vmem>>) dst(%dma_wait3A_911 : memref<64x128xf32, #tpu.memory_space<hbm>>)
    %dma_wait3A_916 = arith.constant 6 : i32
    %dma_wait3A_917 = arith.constant 0 : i32
    %dma_wait3A_918 = arith.constant 0 : i32
    %dma_wait3A_919 = tpu.memref_slice %arg9[%dma_wait3A_916, %dma_wait3A_917, %dma_wait3A_918] : memref<8x64x128xf32, #tpu.memory_space<vmem>> -> memref<1x64x128xf32, #tpu.memory_space<vmem>>
    %dma_wait3A_920 = tpu.memref_squeeze %dma_wait3A_919 : memref<1x64x128xf32, #tpu.memory_space<vmem>> -> memref<64x128xf32, #tpu.memory_space<vmem>>
    %dma_wait3A_921 = arith.constant 0 : i32
    %dma_wait3A_922 = tpu.memref_slice %arg5[%add3A_797, %dma_wait3A_921] : memref<16384x128xf32, #tpu.memory_space<hbm>> -> memref<64x128xf32, #tpu.memory_space<hbm>>
    %dma_wait3A_923 = arith.constant 0 : i32
    %dma_wait3A_924 = tpu.memref_slice %arg5[%add3A_797, %dma_wait3A_923] : memref<16384x128xf32, #tpu.memory_space<hbm>> -> memref<64x128xf32, #tpu.memory_space<hbm>>
    %dma_wait3A_925 = arith.constant 0 : i32
    %dma_wait3A_926 = arith.constant 0 : i32
    %dma_wait3A_927 = tpu.memref_slice %arg9[%dma_wait3A_916, %dma_wait3A_925, %dma_wait3A_926] : memref<8x64x128xf32, #tpu.memory_space<vmem>> -> memref<1x64x128xf32, #tpu.memory_space<vmem>>
    %dma_wait3A_928 = tpu.memref_squeeze %dma_wait3A_927 : memref<1x64x128xf32, #tpu.memory_space<vmem>> -> memref<64x128xf32, #tpu.memory_space<vmem>>
    tpu.wait_dma2 semaphore(%arg22 : memref<!tpu.dma_semaphore, #tpu.memory_space<semaphore_mem>>) src(%dma_wait3A_928 : memref<64x128xf32, #tpu.memory_space<vmem>>) dst(%dma_wait3A_924 : memref<64x128xf32, #tpu.memory_space<hbm>>)
    %dma_wait3A_929 = arith.constant 7 : i32
    %dma_wait3A_930 = arith.constant 0 : i32
    %dma_wait3A_931 = arith.constant 0 : i32
    %dma_wait3A_932 = tpu.memref_slice %arg9[%dma_wait3A_929, %dma_wait3A_930, %dma_wait3A_931] : memref<8x64x128xf32, #tpu.memory_space<vmem>> -> memref<1x64x128xf32, #tpu.memory_space<vmem>>
    %dma_wait3A_933 = tpu.memref_squeeze %dma_wait3A_932 : memref<1x64x128xf32, #tpu.memory_space<vmem>> -> memref<64x128xf32, #tpu.memory_space<vmem>>
    %dma_wait3A_934 = arith.constant 0 : i32
    %dma_wait3A_935 = tpu.memref_slice %arg5[%add3A_824, %dma_wait3A_934] : memref<16384x128xf32, #tpu.memory_space<hbm>> -> memref<64x128xf32, #tpu.memory_space<hbm>>
    %dma_wait3A_936 = arith.constant 0 : i32
    %dma_wait3A_937 = tpu.memref_slice %arg5[%add3A_824, %dma_wait3A_936] : memref<16384x128xf32, #tpu.memory_space<hbm>> -> memref<64x128xf32, #tpu.memory_space<hbm>>
    %dma_wait3A_938 = arith.constant 0 : i32
    %dma_wait3A_939 = arith.constant 0 : i32
    %dma_wait3A_940 = tpu.memref_slice %arg9[%dma_wait3A_929, %dma_wait3A_938, %dma_wait3A_939] : memref<8x64x128xf32, #tpu.memory_space<vmem>> -> memref<1x64x128xf32, #tpu.memory_space<vmem>>
    %dma_wait3A_941 = tpu.memref_squeeze %dma_wait3A_940 : memref<1x64x128xf32, #tpu.memory_space<vmem>> -> memref<64x128xf32, #tpu.memory_space<vmem>>
    tpu.wait_dma2 semaphore(%arg22 : memref<!tpu.dma_semaphore, #tpu.memory_space<semaphore_mem>>) src(%dma_wait3A_941 : memref<64x128xf32, #tpu.memory_space<vmem>>) dst(%dma_wait3A_937 : memref<64x128xf32, #tpu.memory_space<hbm>>)
    return
  }
}

module attributes {stable_mosaic.version = 14 : i64} {
  func.func @_combo_table_body(%arg0: memref<120x64xf32, #tpu.memory_space<vmem>>, %arg1: memref<4x64xf32, #tpu.memory_space<vmem>>, %arg2: memref<128xf32, #tpu.memory_space<vmem>>, %arg3: memref<128xf32, #tpu.memory_space<vmem>>, %arg4: memref<4x120x128xf32, #tpu.memory_space<vmem>>) attributes {dimension_semantics = [], scalar_prefetch = 0 : i64, scratch_operands = 0 : i64, tpu.core_type = #tpu.core_type<tc>} {
    %get3A = arith.constant 0 : index
    %get3A_0 = arith.constant 0 : index
    %get3A_1 = vector.load %arg0[%get3A, %get3A_0] : memref<120x64xf32, #tpu.memory_space<vmem>>, vector<120x64xf32>
    %get3A_2 = arith.constant 0 : index
    %get3A_3 = arith.constant 0 : index
    %get3A_4 = vector.load %arg1[%get3A_2, %get3A_3] : memref<4x64xf32, #tpu.memory_space<vmem>>, vector<4x64xf32>
    %reduce_sum3A = arith.constant dense<0.000000e+00> : vector<120xf32>
    %reduce_sum3A_5 = vector.multi_reduction <add>, %get3A_1, %reduce_sum3A [1] : vector<120x64xf32> to vector<120xf32>
    %broadcast_in_dim3A = vector.shape_cast %reduce_sum3A_5 : vector<120xf32> to vector<120x1xf32>
    %broadcast_in_dim3A_6 = vector.shape_cast %broadcast_in_dim3A : vector<120x1xf32> to vector<1x120x1xf32>
    %reduce_sum3A_7 = arith.constant dense<0.000000e+00> : vector<4xf32>
    %reduce_sum3A_8 = vector.multi_reduction <add>, %get3A_4, %reduce_sum3A_7 [1] : vector<4x64xf32> to vector<4xf32>
    %broadcast_in_dim3A_9 = vector.shape_cast %reduce_sum3A_8 : vector<4xf32> to vector<4x1xf32>
    %broadcast_in_dim3A_10 = vector.shape_cast %broadcast_in_dim3A_9 : vector<4x1xf32> to vector<4x1x1xf32>
    %add3A = vector.broadcast %broadcast_in_dim3A_6 : vector<1x120x1xf32> to vector<4x120x1xf32>
    %add3A_11 = vector.broadcast %broadcast_in_dim3A_10 : vector<4x1x1xf32> to vector<4x120x1xf32>
    %add3A_12 = arith.addf %add3A, %add3A_11 : vector<4x120x1xf32>
    %div3A = arith.constant 1.280000e+02 : f32
    %div3A_13 = vector.broadcast %div3A : f32 to vector<4x120x1xf32>
    %div3A_14 = arith.divf %add3A_12, %div3A_13 : vector<4x120x1xf32>
    %broadcast_in_dim3A_15 = vector.shape_cast %get3A_1 : vector<120x64xf32> to vector<1x120x64xf32>
    %sub3A = vector.broadcast %broadcast_in_dim3A_15 : vector<1x120x64xf32> to vector<4x120x64xf32>
    %sub3A_16 = vector.broadcast %div3A_14 : vector<4x120x1xf32> to vector<4x120x64xf32>
    %sub3A_17 = arith.subf %sub3A, %sub3A_16 : vector<4x120x64xf32>
    %broadcast_in_dim3A_18 = vector.shape_cast %get3A_4 : vector<4x64xf32> to vector<4x1x64xf32>
    %sub3A_19 = vector.broadcast %broadcast_in_dim3A_18 : vector<4x1x64xf32> to vector<4x120x64xf32>
    %sub3A_20 = vector.broadcast %div3A_14 : vector<4x120x1xf32> to vector<4x120x64xf32>
    %sub3A_21 = arith.subf %sub3A_19, %sub3A_20 : vector<4x120x64xf32>
    %mul3A = arith.mulf %sub3A_17, %sub3A_17 : vector<4x120x64xf32>
    %reduce_sum3A_22 = arith.constant dense<0.000000e+00> : vector<4x120xf32>
    %reduce_sum3A_23 = vector.multi_reduction <add>, %mul3A, %reduce_sum3A_22 [2] : vector<4x120x64xf32> to vector<4x120xf32>
    %broadcast_in_dim3A_24 = vector.shape_cast %reduce_sum3A_23 : vector<4x120xf32> to vector<4x120x1xf32>
    %mul3A_25 = arith.mulf %sub3A_21, %sub3A_21 : vector<4x120x64xf32>
    %reduce_sum3A_26 = arith.constant dense<0.000000e+00> : vector<4x120xf32>
    %reduce_sum3A_27 = vector.multi_reduction <add>, %mul3A_25, %reduce_sum3A_26 [2] : vector<4x120x64xf32> to vector<4x120xf32>
    %broadcast_in_dim3A_28 = vector.shape_cast %reduce_sum3A_27 : vector<4x120xf32> to vector<4x120x1xf32>
    %add3A_29 = arith.addf %broadcast_in_dim3A_24, %broadcast_in_dim3A_28 : vector<4x120x1xf32>
    %div3A_30 = arith.constant 1.280000e+02 : f32
    %div3A_31 = vector.broadcast %div3A_30 : f32 to vector<4x120x1xf32>
    %div3A_32 = arith.divf %add3A_29, %div3A_31 : vector<4x120x1xf32>
    %add3A_33 = arith.constant 9.99999997E-7 : f32
    %add3A_34 = vector.broadcast %add3A_33 : f32 to vector<4x120x1xf32>
    %add3A_35 = arith.addf %div3A_32, %add3A_34 : vector<4x120x1xf32>
    %rsqrt3A = math.rsqrt %add3A_35 : vector<4x120x1xf32>
    %get3A_36 = arith.constant 0 : index
    %get3A_37 = vector.load %arg2[%get3A_36] : memref<128xf32, #tpu.memory_space<vmem>>, vector<128xf32>
    %reshape3A = vector.shape_cast %get3A_37 : vector<128xf32> to vector<1x128xf32>
    %get3A_38 = arith.constant 0 : index
    %get3A_39 = vector.load %arg3[%get3A_38] : memref<128xf32, #tpu.memory_space<vmem>>, vector<128xf32>
    %reshape3A_40 = vector.shape_cast %get3A_39 : vector<128xf32> to vector<1x128xf32>
    %mul3A_41 = vector.broadcast %rsqrt3A : vector<4x120x1xf32> to vector<4x120x64xf32>
    %mul3A_42 = arith.mulf %sub3A_17, %mul3A_41 : vector<4x120x64xf32>
    %slice3A = vector.extract_strided_slice %reshape3A {offsets = [0, 0], sizes = [1, 64], strides = [1, 1]} : vector<1x128xf32> to vector<1x64xf32>
    %broadcast_in_dim3A_43 = vector.shape_cast %slice3A : vector<1x64xf32> to vector<1x1x64xf32>
    %mul3A_44 = vector.broadcast %broadcast_in_dim3A_43 : vector<1x1x64xf32> to vector<4x120x64xf32>
    %mul3A_45 = arith.mulf %mul3A_42, %mul3A_44 : vector<4x120x64xf32>
    %slice3A_46 = vector.extract_strided_slice %reshape3A_40 {offsets = [0, 0], sizes = [1, 64], strides = [1, 1]} : vector<1x128xf32> to vector<1x64xf32>
    %broadcast_in_dim3A_47 = vector.shape_cast %slice3A_46 : vector<1x64xf32> to vector<1x1x64xf32>
    %add3A_48 = vector.broadcast %broadcast_in_dim3A_47 : vector<1x1x64xf32> to vector<4x120x64xf32>
    %add3A_49 = arith.addf %mul3A_45, %add3A_48 : vector<4x120x64xf32>
    %mul3A_50 = vector.broadcast %rsqrt3A : vector<4x120x1xf32> to vector<4x120x64xf32>
    %mul3A_51 = arith.mulf %sub3A_21, %mul3A_50 : vector<4x120x64xf32>
    %slice3A_52 = vector.extract_strided_slice %reshape3A {offsets = [0, 64], sizes = [1, 64], strides = [1, 1]} : vector<1x128xf32> to vector<1x64xf32>
    %broadcast_in_dim3A_53 = vector.shape_cast %slice3A_52 : vector<1x64xf32> to vector<1x1x64xf32>
    %mul3A_54 = vector.broadcast %broadcast_in_dim3A_53 : vector<1x1x64xf32> to vector<4x120x64xf32>
    %mul3A_55 = arith.mulf %mul3A_51, %mul3A_54 : vector<4x120x64xf32>
    %slice3A_56 = vector.extract_strided_slice %reshape3A_40 {offsets = [0, 64], sizes = [1, 64], strides = [1, 1]} : vector<1x128xf32> to vector<1x64xf32>
    %broadcast_in_dim3A_57 = vector.shape_cast %slice3A_56 : vector<1x64xf32> to vector<1x1x64xf32>
    %add3A_58 = vector.broadcast %broadcast_in_dim3A_57 : vector<1x1x64xf32> to vector<4x120x64xf32>
    %add3A_59 = arith.addf %mul3A_55, %add3A_58 : vector<4x120x64xf32>
    %concatenate3A = tpu.concatenate %add3A_49, %add3A_59 in 2 : vector<4x120x64xf32>, vector<4x120x64xf32> -> vector<4x120x128xf32>
    %swap3A = arith.constant 0 : index
    %swap3A_60 = arith.constant 0 : index
    %swap3A_61 = arith.constant 0 : index
    %swap3A_62 = vector.load %arg4[%swap3A, %swap3A_60, %swap3A_61] : memref<4x120x128xf32, #tpu.memory_space<vmem>>, vector<4x120x128xf32>
    tpu.vector_store %arg4[%swap3A, %swap3A_60, %swap3A_61], %concatenate3A {strides = array<i32>} : memref<4x120x128xf32, #tpu.memory_space<vmem>>, vector<4x120x128xf32>,
    return
  }
}

</mosaic_0001>

<sc_bundles>
// kernel: kernel.4.cloned.1.call-start
scs
__scs_entry_jumppad:
0x0: {  	(pc) =	sbr.rel $0x88, $3  }
0x1: {  	(tag) =	ssettag $0x0;
	lr =	simm.s32 $0x1  }
0x2: {  	[smem:$0x3F9B] =	sst lr;
	_ =	strace $0xD0000000  }
0x3: {  	_ = 	snop  }
0x4: {  	_ = 	snop  }
0x5: {  	_ = 	snop  }
0x6: {  	_ = 	snop  }
0x7: {  	_ = 	snop  }
__scs_overlays_trampoline_lowered:
0x8: {  	[smem:$0x3FAA] =	sst s0  }
0x9: {  	[smem:$0x3FAB] =	sst s1  }
0xa: {  	[smem:$0x3FAC] =	sst s2  }
0xb: {  	[smem:$0x3FAD] =	sst s3  }
0xc: {  	[smem:$0x3FAE] =	sst s4  }
0xd: {  	[smem:$0x3FAF] =	sst s5  }
0xe: {  	[smem:$0x3FB0] =	sst s6  }
0xf: {  	[smem:$0x3FB1] =	sst s7  }
0x10: {  	[smem:$0x3FB2] =	sst s8  }
0x11: {  	[smem:$0x3FB3] =	sst s9;
	s0 =	simm.s32 @!p0 $0x0  }
0x12: {  	s1 =	sld [smem:$0x3F99];
	s0 =	simm.s32 @p0 $0x1  }
0x13: {  	[smem:$0x3FB4] =	sst s0;
	s0 =	simm.s32 @!p1 $0x0  }
0x14: {  	s2 =	sld [smem:$0x3F98];
	s0 =	simm.s32 @p1 $0x1  }
0x15: {  	[smem:$0x3FB5] =	sst s0;
	s0 =	simm.s32 @!p2 $0x0  }
0x16: {  	s3 =	sld [smem:$0x3FDB];
	s0 =	simm.s32 @p2 $0x1  }
0x17: {  	s4 =	simm.s32 $0x1BF5;
	[smem:$0x3FB7] =	sst s0  }
0x18: {  	s0 =	sld [smem:$0x3F9A];
	_ =	swait.ge [sflag:s4], $0x0  }
0x19: {  	s7 =	sld [smem:$0x3F9B]  }
0x1a: {  	s8 =	sadd.s32 $0xFFFFE003, lr  }
0x1b: {  	s9 =	sadd.s32 $0xFFFFFEF7, lr;
	s5 =	simm.s32 $0xFFFFFFFF;
	p2 =	slt.u32 s8, $0xFFFFF086  }
0x1c: {  	p1 =	slt.u32 s9, $0xF7A;
	s5 =	simm.s32 @!p2 $0x0  }
0x1d: {  	s5 =	simm.s32 @p1 $0x1;
	p0 =	seq.s32 s7, s2  }
0x1e: {  	s7 =	smul.u32 @!p0 $0xF7A, s2;
	p2 =	seq.s32 @!p0 s5, $0x0  }
0x1f: {  	s9 =	smul.u32 $0xF7A, s1;
	s8 =	simm.s32 @!p0 $0x1BF5;
	p2 =	por !p2, p0  }
0x20: {  	[sflag:s8] =	ssyncset.s32 @!p0 $0xFFFFF086;
	s6 =	sadd.s32 @!p0 s3, s7;
	s7 =	simm.s32 @!p0 $0x108  }
0x21: {  	s3 =	sadd.s32 s3, s9;
	s6 =	sadd.s32 @!p0 $0x88, s6;
	s7 =	simm.s32 @p2 $0x1082  }
0x22: {  	[simem:s7], [sflag:s8] =	dma.local @!p0 [hbm:s6], $0xF7A  }
0x23: {  	s9 =	sor.u32 $0xD0000000, s2;
	s6 =	simm.s32 $0x108;
	_ =	swait.ge @!p0 [sflag:s8], $0x0  }
0x24: {  	s3 =	sadd.s32 $0x88, s3;
	s6 =	simm.s32 @!p1 $0x1082;
	[sflag:s4] =	ssyncset.s32 $0xFFFFF086  }
0x25: {  	[simem:s6], [sflag:s4] =	dma.local [hbm:s3], $0xF7A  }
0x26: {  	[smem:$0x3F9B] =	sst s1;
	(tag) =	ssettag s2;
	_ =	strace s9  }
0x27: {  	s1 =	sld [smem:$0x3FAB]  }
0x28: {  	s2 =	sld [smem:$0x3FAC]  }
0x29: {  	s4 =	sld [smem:$0x3FAE]  }
0x2a: {  	p0 =	seq.s32 s5, $0x0;
	s5 =	sld [smem:$0x3FAF]  }
0x2b: {  	s6 =	sld [smem:$0x3FB0]  }
0x2c: {  	s7 =	sld [smem:$0x3FB1]  }
0x2d: {  	s3 =	simm.s32 $0x108;
	s8 =	sld [smem:$0x3FB2]  }
0x2e: {  	s3 =	simm.s32 @!p0 $0x1082;
	s9 =	sld [smem:$0x3FB3]  }
0x2f: {  	lr =	sadd.s32 s0, s3;
	s0 =	sld [smem:$0x3FAA]  }
0x30: {  	s3 =	sld [smem:$0x3FAD]  }
0x31: {  	[smem:$0x3FB6] =	sst s10  }
0x32: {  	s10 =	sld [smem:$0x3FB4];
	_ =	sdelay $0x3  }
0x33: {  	p0 =	seq.s32 s10, $0x1;
	s10 =	sld [smem:$0x3FB6];
	_ =	sdelay $0x3  }
0x34: {  	[smem:$0x3FB6] =	sst s10  }
0x35: {  	s10 =	sld [smem:$0x3FB5];
	_ =	sdelay $0x3  }
0x36: {  	p1 =	seq.s32 s10, $0x1;
	s10 =	sld [smem:$0x3FB6];
	_ =	sdelay $0x3  }
0x37: {  	[smem:$0x3FB6] =	sst s10  }
0x38: {  	s10 =	sld [smem:$0x3FB7]  }
0x39: {  	_ = 	snop;
	(pc) =	sbr.ind lr, $3  }
0x3a: {  	_ = 	snop  }
0x3b: {  	_ = 	snop  }
0x3c: {  	p2 =	seq.s32 s10, $0x1;
	s10 =	sld [smem:$0x3FB6]  }
0x3d: {  	_ =	shalt  }
0x3e: {  	_ =	shalt  }
0x3f: {  	_ =	shalt  }
0x40: {  	_ =	shalt  }
0x41: {  	_ =	shalt  }
0x42: {  	_ =	shalt  }
0x43: {  	_ =	shalt  }
0x44: {  	_ =	shalt  }
0x45: {  	_ =	shalt  }
0x46: {  	_ =	shalt  }
0x47: {  	_ =	shalt  }
0x48: {  	_ =	shalt  }
0x49: {  	_ =	shalt  }
0x4a: {  	_ =	shalt  }
0x4b: {  	_ =	shalt  }
0x4c: {  	_ =	shalt  }
0x4d: {  	_ =	shalt  }
0x4e: {  	_ =	shalt  }
0x4f: {  	_ =	shalt  }
0x50: {  	_ =	shalt  }
0x51: {  	_ =	shalt  }
0x52: {  	_ =	shalt  }
0x53: {  	_ =	shalt  }
0x54: {  	_ =	shalt  }
0x55: {  	_ =	shalt  }
0x56: {  	_ =	shalt  }
0x57: {  	_ =	shalt  }
0x58: {  	_ =	shalt  }
0x59: {  	_ =	shalt  }
0x5a: {  	_ =	shalt  }
0x5b: {  	_ =	shalt  }
0x5c: {  	_ =	shalt  }
0x5d: {  	_ =	shalt  }
0x5e: {  	_ =	shalt  }
0x5f: {  	_ =	shalt  }
0x60: {  	_ =	shalt  }
0x61: {  	_ =	shalt  }
0x62: {  	_ =	shalt  }
0x63: {  	_ =	shalt  }
0x64: {  	_ =	shalt  }
0x65: {  	_ =	shalt  }
0x66: {  	_ =	shalt  }
0x67: {  	_ =	shalt  }
0x68: {  	_ =	shalt  }
0x69: {  	_ =	shalt  }
0x6a: {  	_ =	shalt  }
0x6b: {  	_ =	shalt  }
0x6c: {  	_ =	shalt  }
0x6d: {  	_ =	shalt  }
0x6e: {  	_ =	shalt  }
0x6f: {  	_ =	shalt  }
0x70: {  	_ =	shalt  }
0x71: {  	_ =	shalt  }
0x72: {  	_ =	shalt  }
0x73: {  	_ =	shalt  }
0x74: {  	_ =	shalt  }
0x75: {  	_ =	shalt  }
0x76: {  	_ =	shalt  }
0x77: {  	_ =	shalt  }
0x78: {  	_ =	shalt  }
0x79: {  	_ =	shalt  }
0x7a: {  	_ =	shalt  }
0x7b: {  	_ =	shalt  }
0x7c: {  	_ =	shalt  }
0x7d: {  	_ =	shalt  }
0x7e: {  	_ =	shalt  }
0x7f: {  	_ =	shalt  }
0x80: {  	_ =	shalt  }
0x81: {  	_ =	shalt  }
0x82: {  	_ =	shalt  }
0x83: {  	_ =	shalt  }
0x84: {  	_ =	shalt  }
0x85: {  	_ =	shalt  }
0x86: {  	_ =	shalt  }
0x87: {  	_ =	shalt  }
.Lfunc_end0:
.L_simem_size_0:
called_computation_lowered:
.L_overlay_start_0:
0x88: {  	s2 =	sld [smem:$0x3FD9]  }
0x89: {  	s3 =	sld [smem:$0x3FFE];
	_ =	sdelay $0x1  }
0x8a: {  	s1 =	srdreg.scid  }
0x8b: {  	s0 =	sand.u32 $0x1, s1  }
0x8c: {  	s17 =	sshll.u32 s0, $0xA;
	s2 =	sadd.s32 s3, s2  }
0x8d: {  	s2 =	sadd.s32 s2, s17  }
0x8e: {  	[smem:$0x3FC2] =	sst s2  }
0x8f: {  	_ = 	snop  }
0x90: {  	s2 =	sld [smem:$0x3FC9]  }
0x91: {  	s18 =	sld [smem:$0x3FC8]  }
0x92: {  	s4 =	sld [smem:$0x3FD0];
	(tm) =	ssettm $0x1  }
0x93: {  	s5 =	sld [smem:$0x3FFB];
	_ =	sdelay $0x3  }
0x94: {  	_ =	strace s5  }
0x95: {  	s5 =	sld [smem:$0x3FFC];
	_ =	sdelay $0x3  }
0x96: {  	_ =	strace s5  }
0x97: {  	s5 =	sld [smem:$0x3FFD];
	_ =	sdelay $0x3  }
0x98: {  	_ =	strace s5  }
0x99: {  	_ =	strace $0x8FFFFFFF  }
0x9a: {  	s19 =	sld [smem:$0x3FDB];
	_ =	sdelay $0x1  }
0x9b: {  	s6 =	simm.s32 $_scs_section_size  }
0x9c: {  	s7 =	simm.s32 $_size__tile_overlayer_lowered;
	s8 =	simm.s32 $_tile_overlayer_lowered  }
0x9d: {  	s22 =	simm.s32 $0x1BFF;
	s21 =	sshll.u32 s8, $0x1;
	s5 =	sadd.s32 s6, s19  }
0x9e: {  	s9 =	simm.s32 $0x0;
	s20 =	sshll.u32 s7, $0x1;
	s7 =	sadd.s32 s21, s5  }
0x9f: {  	[timem:s9], [sflag:s22] =	dma.local [hbm:s7], s20  }
0xa0: {  	_ =	swait.ge [sflag:s22], s20  }
0xa1: {  	s6 =	ssub.s32 $0x0, s20;
	[sflag:s22] =	ssyncset.done $0x0  }
0xa2: {  	[sflag:s22] =	ssyncadd.s32 s6;
	_ =	sdelay $0x1  }
0xa3: {  	s23 =	simm.s32 $0x1B8B  }
0xa4: {  	_ =	swait.ge [sflag:s23], $0x1  }
0xa5: {  	[sflag:s23] =	ssyncset.done $0x0  }
0xa6: {  	s25 =	simm.s32 $0x1B8E;
	s24 =	sld [smem:$0x3FFE];
	[sflag:s23] =	ssyncadd.s32 $0xFFFFFFFF  }
0xa7: {  	s26 =	simm.s32 $execute0_lowered;
	[smem:$0x3FD2] =	sst s25  }
0xa8: {  	s7 =	sshll.u32 s26, $0x1;
	_ =	strace $0x80000046;
	[dreg:$0x1] =	wrdreg $0xFFFFFFFF  }
0xa9: {  	s28 =	simm.s32 $_size_execute0_lowered;
	s5 =	sadd.s32 s5, s7;
	[dreg:$0x0] =	wrdreg $0x0  }
0xaa: {  	s7 =	sshll.u32 s28, $0x1;
	[dreg:$0x2] =	wrdreg s5  }
0xab: {  	[dreg:$0x3] =	wrdreg s7  }
0xac: {  	[dreg:$0x4] =	wrdreg $0xC0  }
0xad: {  	_ =	task [dreg:s9], $0x5FFFF  }
0xae: {  	[dreg:$0x1] =	wrdreg $0xFFFFFFFF  }
0xaf: {  	[dreg:$0x0] =	wrdreg $0x60  }
0xb0: {  	[dreg:$0x2] =	wrdreg s2  }
0xb1: {  	[dreg:$0x3] =	wrdreg s18  }
0xb2: {  	[dreg:$0x4] =	wrdreg s24  }
0xb3: {  	[dreg:$0x5] =	wrdreg s4  }
0xb4: {  	[dreg:$0x6] =	wrdreg $0x108000  }
0xb5: {  	[dreg:$0x7] =	wrdreg $0x9  }
0xb6: {  	_ =	task.clear_ibuf [dreg:s9], $0x8FFFF;
	_ =	strace $0x90000046  }
0xb7: {  	s29 =	simm.s32 $0x9;
	_ =	strace $0x80000048  }
0xb8: {  	_ =	swait.ge [sflag:s29], $0x1  }
0xb9: {  	[sflag:s29] =	ssyncadd.s32 $0xFFFFFFFF  }
0xba: {  	_ =	strace $0x90000048  }
0xbb: {  	_ =	sfence  }
0xbc: {  	s30 =	sld [smem:$0x0];
	_ =	sdelay $0x2  }
0xbd: {  	s31 =	sshll.u32 s1, $0xD;
	s1 =	sshrl.u32 s1, $0x2  }
0xbe: {  	s3 =	sand.u32 $0x4000, s31;
	s1 =	sadd.s32 s1, s30  }
0xbf: {  	s0 =	sor.u32 s3, s0;
	s1 =	sshll.u32 s1, $0x11  }
0xc0: {  	s0 =	sor.u32 s1, s0  }
0xc1: {  	s0 =	sadd.s32 $0x8F2B, s0  }
0xc2: {  	[sflag:s0] =	ssyncadd.remote.s32 $0x1  }
0xc3: {  	_ =	sfence.sel $0xFFFF  }
0xc4: {  	[dreg:$0x0] =	wrdreg $0xFFFFFFFF;
	(pc) =	sbr.abs _section_cstart, $3  }
0xc5: {  	[dreg:$0x1] =	wrdreg $0xFFFFFFFF  }
0xc6: {  	_ =	task.clear_ibuf [dreg:s9], $0x2FFFF;
	_ =	strace $0x9FFFFFFF  }
0xc7: {  	(tm) =	ssettm $0x7FFFFFFF  }
tec
execute0_lowered:
.L_overlay_start_1:
0x0: {  	(tag) =	ssettag $0x1  }
0x1: {  	s3 =	rddreg [dreg:$0x0]  }
0x2: {  	s4 =	rddreg [dreg:$0x1]  }
0x3: {  	s5 =	rddreg [dreg:$0x2]  }
0x4: {  	s6 =	rddreg [dreg:$0x3];
	s1 =	srdreg.scid  }
0x5: {  	s2 =	rddreg [dreg:$0x4];
	s20 =	sand.u32 $0x1, s1;
	s1 =	simm.s32 $0x0  }
0x6: {  	s5 =	sadd.s32 $0xC00, s5;
	[smem:$0x7FF] =	sst s1  }
0x7: {  	s17 =	simm.s32 $0x400;
	_ =	strace $0x80000047;
	[dreg:$0x6] =	wrdreg s5  }
0x8: {  	s18 =	simm.s32 $0x600;
	[dreg:$0x10] =	wrdreg s17  }
0x9: {  	s19 =	simm.s32 $0x80;
	[dreg:$0x11] =	wrdreg s18  }
0xa: {  	s21 =	simm.s32 $0x100;
	[dreg:$0x13] =	wrdreg s19  }
0xb: {  	s7 =	stileid.u32;
	s25 =	simm.s32 $0x180;
	[dreg:$0x14] =	wrdreg s21  }
0xc: {  	s8 =	sshll.u32 s7, $0xA;
	s9 =	sshll.u32 s20, $0x9;
	[dreg:$0x15] =	wrdreg s25  }
0xd: {  	p0 =	sne.s32 s7, $0x0;
	s8 =	sor.u32 s9, s8;
	s7 =	rddreg [dreg:$0x6]  }
0xe: {  	s9 =	sshrl.u32 s8, $0x3;
	s23 =	rddreg [dreg:$0x10]  }
0xf: {  	s24 =	rddreg [dreg:$0x11];
	s3 =	sadd.s32 s3, s9  }
0x10: {  	s4 =	sadd.s32 s4, s9;
	[dreg:$0x7] =	wrdreg s3  }
0x11: {  	s8 =	sshll.u32 s8, $0x4;
	[dreg:$0x8] =	wrdreg s4;
	s4 =	sshrl.u32 @!p0 s2, $0x3  }
0x12: {  	s3 =	sadd.s32 s6, s8;
	[dreg:$0x12] =	wrdreg s4  }
0x13: {  	s10 =	sadd.s32 $0x400, s3;
	s22 =	rddreg [dreg:$0x7]  }
0x14: {  	s11 =	sadd.s32 $0x800, s3;
	[dreg:$0x9] =	wrdreg s10  }
0x15: {  	s12 =	sadd.s32 $0xC00, s3;
	[dreg:$0xa] =	wrdreg s11  }
0x16: {  	s13 =	sadd.s32 $0x1000, s3;
	[dreg:$0xb] =	wrdreg s12  }
0x17: {  	s14 =	sadd.s32 $0x1400, s3;
	[dreg:$0xc] =	wrdreg s13  }
0x18: {  	s15 =	sadd.s32 $0x1800, s3;
	[dreg:$0xd] =	wrdreg s14  }
0x19: {  	s16 =	sadd.s32 $0x1C00, s3;
	[dreg:$0xe] =	wrdreg s15  }
0x1a: {  	[dreg:$0xf] =	wrdreg s16  }
0x1b: {  	s6 =	rddreg [dreg:$0x12]  }
0x1c: {  	[tilespmem:s23], [sflag:$0x9] =	stream.linear.gather [hbm4b:s22+s1], $0x200, $0x38;
	[tilespmem:$0x11700] =	vst v63  }
0x1d: {  	s0 =	simm.s32 @!p0 $0x1C0B;
	s4 =	simm.s32 $0x9;
	s10 =	rddreg [dreg:$0x8]  }
0x1e: {  	[tilespmem:s24], [sflag:$0xA] =	stream.linear.gather [hbm4b:s10+s1], $0x200, $0x38;
	[tilespmem:$0x11700] =	vst v63  }
0x1f: {  	[spmem:s6], [sflag:s0] =	dma.local @!p0 [hbm:s7], $0x1E00  }
0x20: {  	_ =	swait.ge [sflag:s4], $0x200  }
0x21: {  	[sflag:s4] =	ssyncset.done $0x0  }
0x22: {  	s6 =	simm.s32 $0xA;
	[sflag:s4] =	ssyncadd.s32 $0xFFFFFE00  }
0x23: {  	_ =	swait.ge [sflag:s6], $0x200  }
0x24: {  	[sflag:s6] =	ssyncset.done $0x0  }
0x25: {  	[sflag:s6] =	ssyncadd.s32 $0xFFFFFE00  }
0x26: {  	v0 =	vld [tilespmem:$0x410]  }
0x27: {  	v1 =	vld [tilespmem:$0x430]  }
0x28: {  	v2 =	vld [tilespmem:$0x630]  }
0x29: {  	v3 =	vld [tilespmem:$0x610]  }
0x2a: {  	v4 =	vld [tilespmem:$0x600]  }
0x2b: {  	v5 =	vld [tilespmem:$0x620]  }
0x2c: {  	v6 =	vld [tilespmem:$0x400]  }
0x2d: {  	v7 =	vld [tilespmem:$0x420];
	v2 =	vmul.u32 $0x78, v2  }
0x2e: {  	v3 =	vmul.u32 $0x78, v3  }
0x2f: {  	v4 =	vmul.u32 $0x78, v4;
	v1 =	vadd.s32 v1, v2  }
0x30: {  	v42 =	vmul.u32 $0x78, v5;
	v0 =	vadd.s32 v0, v3;
	[tilespmem:$0x30] =	vst v1  }
0x31: {  	v43 =	vadd.s32 v6, v4;
	[tilespmem:$0x10] =	vst v0  }
0x32: {  	v44 =	vadd.s32 v7, v42;
	[tilespmem:$0x0] =	vst v43  }
0x33: {  	s7 =	simm.s32 @!p0 $0xB;
	[tilespmem:$0x20] =	vst v44  }
0x34: {  	_ =	swait.ge @!p0 [sflag:s7], $0x1E00  }
0x35: {  	[sflag:s7] =	ssyncset.done @!p0 $0x0  }
0x36: {  	[sflag:s7] =	ssyncadd.s32 @!p0 $0xFFFFE200  }
0x37: {  	s9 =	simm.s32 $0x800;
	s8 =	simm.s32 $0x40;
	[bflag:$0x0] =	sbarrier.arrive $0xFFFF  }
0x38: {  	[tilespmem:s9], [sflag:$0x1] =	stream.indirect.gather [spmem:s2], $0x80, s1, s8, $0xb8;
	[tilespmem:$0x11700] =	vst v63  }
0x39: {  	v45 =	vld [tilespmem:$0x470]  }
0x3a: {  	v46 =	vld [tilespmem:$0x450]  }
0x3b: {  	v47 =	vld [tilespmem:$0x670]  }
0x3c: {  	v48 =	vld [tilespmem:$0x650]  }
0x3d: {  	v49 =	vld [tilespmem:$0x660]  }
0x3e: {  	v50 =	vld [tilespmem:$0x640]  }
0x3f: {  	v51 =	vld [tilespmem:$0x460]  }
0x40: {  	v52 =	vld [tilespmem:$0x440];
	v2 =	vmul.u32 $0x78, v47  }
0x41: {  	v3 =	vmul.u32 $0x78, v48  }
0x42: {  	v4 =	vmul.u32 $0x78, v49;
	v0 =	vadd.s32 v45, v2  }
0x43: {  	v53 =	vmul.u32 $0x78, v50;
	v1 =	vadd.s32 v46, v3;
	[tilespmem:$0xB0] =	vst v0  }
0x44: {  	v54 =	vadd.s32 v51, v4;
	[tilespmem:$0x90] =	vst v1  }
0x45: {  	v55 =	vadd.s32 v52, v53;
	[tilespmem:$0xA0] =	vst v54  }
0x46: {  	s10 =	simm.s32 $0x2800;
	s11 =	rddreg [dreg:$0x13];
	[tilespmem:$0x80] =	vst v55  }
0x47: {  	[tilespmem:s10], [sflag:$0x2] =	stream.indirect.gather [spmem:s2], $0x80, s11, s8, $0xb8;
	[tilespmem:$0x11700] =	vst v63  }
0x48: {  	v56 =	vld [tilespmem:$0x4B0]  }
0x49: {  	v57 =	vld [tilespmem:$0x4A0]  }
0x4a: {  	v58 =	vld [tilespmem:$0x6A0]  }
0x4b: {  	v59 =	vld [tilespmem:$0x6B0]  }
0x4c: {  	v60 =	vld [tilespmem:$0x690]  }
0x4d: {  	v61 =	vld [tilespmem:$0x680]  }
0x4e: {  	v62 =	vld [tilespmem:$0x490]  }
0x4f: {  	v63 =	vld [tilespmem:$0x480];
	v2 =	vmul.u32 $0x78, v58  }
0x50: {  	v3 =	vmul.u32 $0x78, v59  }
0x51: {  	v4 =	vmul.u32 $0x78, v60;
	v1 =	vadd.s32 v57, v2  }
0x52: {  	v5 =	vmul.u32 $0x78, v61;
	v0 =	vadd.s32 v56, v3;
	[tilespmem:$0x120] =	vst v1  }
0x53: {  	v6 =	vadd.s32 v62, v4;
	[tilespmem:$0x130] =	vst v0  }
0x54: {  	v8 =	vadd.s32 v63, v5;
	[tilespmem:$0x110] =	vst v6  }
0x55: {  	s12 =	rddreg [dreg:$0x14];
	s11 =	simm.s32 $0x4800;
	[tilespmem:$0x100] =	vst v8  }
0x56: {  	[tilespmem:s11], [sflag:$0x3] =	stream.indirect.gather [spmem:s2], $0x80, s12, s8, $0xb8;
	[tilespmem:$0x11700] =	vst v63  }
0x57: {  	v9 =	vld [tilespmem:$0x4E0]  }
0x58: {  	v10 =	vld [tilespmem:$0x6C0]  }
0x59: {  	v11 =	vld [tilespmem:$0x4C0]  }
0x5a: {  	v12 =	vld [tilespmem:$0x6E0]  }
0x5b: {  	v13 =	vld [tilespmem:$0x6D0]  }
0x5c: {  	v14 =	vld [tilespmem:$0x6F0]  }
0x5d: {  	v15 =	vld [tilespmem:$0x4D0]  }
0x5e: {  	v16 =	vld [tilespmem:$0x4F0];
	v1 =	vmul.u32 $0x78, v10  }
0x5f: {  	v3 =	vmul.u32 $0x78, v12  }
0x60: {  	v17 =	vmul.u32 $0x78, v13;
	v1 =	vadd.s32 v11, v1  }
0x61: {  	v18 =	vmul.u32 $0x78, v14;
	v0 =	vadd.s32 v9, v3;
	[tilespmem:$0x180] =	vst v1  }
0x62: {  	v2 =	vadd.s32 v15, v17;
	[tilespmem:$0x1A0] =	vst v0  }
0x63: {  	v19 =	vadd.s32 v16, v18;
	[tilespmem:$0x190] =	vst v2  }
0x64: {  	s13 =	rddreg [dreg:$0x15];
	s12 =	simm.s32 $0x6800;
	[tilespmem:$0x1B0] =	vst v19  }
0x65: {  	[tilespmem:s12], [sflag:$0x4] =	stream.indirect.gather [spmem:s2], $0x80, s13, s8, $0xb8;
	[tilespmem:$0x11700] =	vst v63  }
0x66: {  	v20 =	vld [tilespmem:$0x520]  }
0x67: {  	v21 =	vld [tilespmem:$0x710]  }
0x68: {  	v22 =	vld [tilespmem:$0x510]  }
0x69: {  	v23 =	vld [tilespmem:$0x720]  }
0x6a: {  	v24 =	vld [tilespmem:$0x730]  }
0x6b: {  	v25 =	vld [tilespmem:$0x700]  }
0x6c: {  	v26 =	vld [tilespmem:$0x530]  }
0x6d: {  	v27 =	vld [tilespmem:$0x500];
	v1 =	vmul.u32 $0x78, v21  }
0x6e: {  	v3 =	vmul.u32 $0x78, v23  }
0x6f: {  	v28 =	vmul.u32 $0x78, v24;
	v1 =	vadd.s32 v22, v1  }
0x70: {  	v29 =	vmul.u32 $0x78, v25;
	v0 =	vadd.s32 v20, v3;
	[tilespmem:$0x210] =	vst v1  }
0x71: {  	v30 =	vadd.s32 v26, v28;
	[tilespmem:$0x220] =	vst v0  }
0x72: {  	v1 =	vadd.s32 v27, v29;
	[tilespmem:$0x230] =	vst v30  }
0x73: {  	s26 =	simm.s32 $0x200;
	s13 =	simm.s32 $0x8800;
	[tilespmem:$0x200] =	vst v1  }
0x74: {  	[tilespmem:s13], [sflag:$0x5] =	stream.indirect.gather [spmem:s2], $0x80, s26, s8, $0xb8;
	[tilespmem:$0x11700] =	vst v63  }
0x75: {  	v31 =	vld [tilespmem:$0x560]  }
0x76: {  	v32 =	vld [tilespmem:$0x760]  }
0x77: {  	v33 =	vld [tilespmem:$0x740]  }
0x78: {  	v34 =	vld [tilespmem:$0x750]  }
0x79: {  	v35 =	vld [tilespmem:$0x770]  }
0x7a: {  	v36 =	vld [tilespmem:$0x550]  }
0x7b: {  	v37 =	vld [tilespmem:$0x540]  }
0x7c: {  	v38 =	vld [tilespmem:$0x570];
	v1 =	vmul.u32 $0x78, v32  }
0x7d: {  	v3 =	vmul.u32 $0x78, v34  }
0x7e: {  	v2 =	vmul.u32 $0x78, v33;
	v0 =	vadd.s32 v31, v1  }
0x7f: {  	v39 =	vmul.u32 $0x78, v35;
	v40 =	vadd.s32 v36, v3;
	[tilespmem:$0x2A0] =	vst v0  }
0x80: {  	v2 =	vadd.s32 v37, v2;
	[tilespmem:$0x290] =	vst v40  }
0x81: {  	v0 =	vadd.s32 v38, v39;
	[tilespmem:$0x280] =	vst v2  }
0x82: {  	s5 =	simm.s32 $0x280;
	s15 =	simm.s32 $0xA800;
	[tilespmem:$0x2B0] =	vst v0  }
0x83: {  	[tilespmem:s15], [sflag:$0x6] =	stream.indirect.gather [spmem:s2], $0x80, s5, s8, $0xb8;
	[tilespmem:$0x11700] =	vst v63  }
0x84: {  	v41 =	vld [tilespmem:$0x590]  }
0x85: {  	v42 =	vld [tilespmem:$0x790]  }
0x86: {  	v43 =	vld [tilespmem:$0x7B0]  }
0x87: {  	v44 =	vld [tilespmem:$0x5B0]  }
0x88: {  	v45 =	vld [tilespmem:$0x7A0]  }
0x89: {  	v46 =	vld [tilespmem:$0x780]  }
0x8a: {  	v47 =	vld [tilespmem:$0x5A0]  }
0x8b: {  	v48 =	vld [tilespmem:$0x580];
	v1 =	vmul.u32 $0x78, v42  }
0x8c: {  	v2 =	vmul.u32 $0x78, v43  }
0x8d: {  	v49 =	vmul.u32 $0x78, v45;
	v0 =	vadd.s32 v41, v1  }
0x8e: {  	v51 =	vmul.u32 $0x78, v46;
	v50 =	vadd.s32 v44, v2;
	[tilespmem:$0x310] =	vst v0  }
0x8f: {  	v1 =	vadd.s32 v47, v49;
	[tilespmem:$0x330] =	vst v50  }
0x90: {  	v52 =	vadd.s32 v48, v51;
	[tilespmem:$0x320] =	vst v1  }
0x91: {  	s17 =	simm.s32 $0xC800;
	s14 =	simm.s32 $0x300;
	[tilespmem:$0x300] =	vst v52  }
0x92: {  	[tilespmem:s17], [sflag:$0x7] =	stream.indirect.gather [spmem:s2], $0x80, s14, s8, $0xb8;
	[tilespmem:$0x11700] =	vst v63  }
0x93: {  	v53 =	vld [tilespmem:$0x5D0]  }
0x94: {  	v54 =	vld [tilespmem:$0x5C0]  }
0x95: {  	v55 =	vld [tilespmem:$0x7C0]  }
0x96: {  	v56 =	vld [tilespmem:$0x7D0]  }
0x97: {  	v57 =	vld [tilespmem:$0x7F0]  }
0x98: {  	v58 =	vld [tilespmem:$0x7E0]  }
0x99: {  	v59 =	vld [tilespmem:$0x5F0]  }
0x9a: {  	v60 =	vld [tilespmem:$0x5E0];
	v2 =	vmul.u32 $0x78, v55  }
0x9b: {  	v3 =	vmul.u32 $0x78, v56  }
0x9c: {  	v61 =	vmul.u32 $0x78, v57;
	v1 =	vadd.s32 v54, v2  }
0x9d: {  	v62 =	vmul.u32 $0x78, v58;
	v0 =	vadd.s32 v53, v3;
	[tilespmem:$0x380] =	vst v1  }
0x9e: {  	v63 =	vadd.s32 v59, v61;
	[tilespmem:$0x390] =	vst v0  }
0x9f: {  	v1 =	vadd.s32 v60, v62;
	[tilespmem:$0x3B0] =	vst v63  }
0xa0: {  	s19 =	simm.s32 $0xE800;
	s16 =	simm.s32 $0x380;
	s22 =	simm.s32 $0x1;
	[tilespmem:$0x3A0] =	vst v1  }
0xa1: {  	[tilespmem:s19], [sflag:$0x8] =	stream.indirect.gather [spmem:s2], $0x80, s16, s8, $0xb8;
	[tilespmem:$0x11700] =	vst v63  }
0xa2: {  	_ =	swait.ge [sflag:s22], $0x2000  }
0xa3: {  	[sflag:s22] =	ssyncset.done $0x0  }
0xa4: {  	s23 =	simm.s32 $0x2;
	[sflag:s22] =	ssyncadd.s32 $0xFFFFE000  }
0xa5: {  	[hbm4b:s3+s1] =	stream.linear.scatter [tilespmem:s9], [sflag:$0xC], $0x2000, $0x38;
	[tilespmem:$0x11700] =	vst v63  }
0xa6: {  	s20 =	ssub.s32 $0x2, s20;
	_ =	swait.ge [sflag:s23], $0x2000  }
0xa7: {  	s24 =	simm.s32 $0x3;
	s26 =	sshrl.u32 s20, $0x1;
	[sflag:s23] =	ssyncset.done $0x0  }
0xa8: {  	s20 =	ssub.s32 s20, s26;
	s25 =	rddreg [dreg:$0x9];
	[sflag:s23] =	ssyncadd.s32 $0xFFFFE000  }
0xa9: {  	[hbm4b:s25+s1] =	stream.linear.scatter [tilespmem:s10], [sflag:$0xC], $0x2000, $0x38;
	[tilespmem:$0x11700] =	vst v63  }
0xaa: {  	s20 =	smax.u32 s20, $0x1;
	_ =	swait.ge [sflag:s24], $0x2000  }
0xab: {  	s31 =	sadd.s32 $0xFFFFFFFF, s20;
	[sflag:s24] =	ssyncset.done $0x0  }
0xac: {  	p1 =	sne.s32 s31, $0x0;
	s18 =	rddreg [dreg:$0xa];
	[sflag:s24] =	ssyncadd.s32 $0xFFFFE000  }
0xad: {  	[hbm4b:s18+s1] =	stream.linear.scatter [tilespmem:s11], [sflag:$0xC], $0x2000, $0x38;
	[tilespmem:$0x11700] =	vst v63  }
.Ltmp0:
0xae: {  	s28 =	simm.s32 $0x4;
	(pc) =	sbr.rel @!p1 .LBB2_2-.Ltmp0, $4  }
0xaf: {  	s30 =	simm.s32 $0x5;
	s29 =	simm.s32 $0x6;
	_ =	swait.ge [sflag:s28], $0x2000  }
0xb0: {  	s26 =	simm.s32 $0x7;
	s20 =	simm.s32 $0xC;
	[sflag:s28] =	ssyncset.done $0x0  }
0xb1: {  	s25 =	simm.s32 $0x8;
	s21 =	rddreg [dreg:$0xb];
	[sflag:s28] =	ssyncadd.s32 $0xFFFFE000  }
0xb2: {  	[hbm4b:s21+s1] =	stream.linear.scatter [tilespmem:s12], [sflag:$0xC], $0x2000, $0x38;
	[tilespmem:$0x11700] =	vst v63  }
.LBB2_1:
0xb3: {  	_ =	swait.ge [sflag:s30], $0x2000  }
0xb4: {  	[sflag:s30] =	ssyncset.done $0x0  }
0xb5: {  	s0 =	rddreg [dreg:$0xc];
	[sflag:s30] =	ssyncadd.s32 $0xFFFFE000  }
0xb6: {  	[hbm4b:s0+s1] =	stream.linear.scatter [tilespmem:s13], [sflag:$0xC], $0x2000, $0x38;
	[tilespmem:$0x11700] =	vst v63  }
0xb7: {  	_ =	swait.ge [sflag:s29], $0x2000  }
0xb8: {  	[sflag:s29] =	ssyncset.done $0x0  }
0xb9: {  	s16 =	rddreg [dreg:$0xd];
	[sflag:s29] =	ssyncadd.s32 $0xFFFFE000  }
0xba: {  	[hbm4b:s16+s1] =	stream.linear.scatter [tilespmem:s15], [sflag:$0xC], $0x2000, $0x38;
	[tilespmem:$0x11700] =	vst v63  }
0xbb: {  	_ =	swait.ge [sflag:s26], $0x2000  }
0xbc: {  	[sflag:s26] =	ssyncset.done $0x0  }
0xbd: {  	s18 =	rddreg [dreg:$0xe];
	[sflag:s26] =	ssyncadd.s32 $0xFFFFE000  }
0xbe: {  	[hbm4b:s18+s1] =	stream.linear.scatter [tilespmem:s17], [sflag:$0xC], $0x2000, $0x38;
	[tilespmem:$0x11700] =	vst v63  }
0xbf: {  	_ =	swait.ge [sflag:s25], $0x2000  }
0xc0: {  	[sflag:s25] =	ssyncset.done $0x0  }
0xc1: {  	s21 =	rddreg [dreg:$0xf];
	[sflag:s25] =	ssyncadd.s32 $0xFFFFE000  }
0xc2: {  	[hbm4b:s21+s1] =	stream.linear.scatter [tilespmem:s19], [sflag:$0xC], $0x2000, $0x38;
	[tilespmem:$0x11700] =	vst v63  }
0xc3: {  	_ =	swait.ge [sflag:s20], $0x2000  }
0xc4: {  	[sflag:s20] =	ssyncset.done $0x0  }
0xc5: {  	[sflag:s20] =	ssyncadd.s32 $0xFFFFE000  }
0xc6: {  	_ =	swait.ge [sflag:s20], $0x2000  }
0xc7: {  	[sflag:s20] =	ssyncset.done $0x0  }
0xc8: {  	[sflag:s20] =	ssyncadd.s32 $0xFFFFE000  }
0xc9: {  	_ =	swait.ge [sflag:s20], $0x2000  }
0xca: {  	[sflag:s20] =	ssyncset.done $0x0  }
0xcb: {  	[sflag:s20] =	ssyncadd.s32 $0xFFFFE000  }
0xcc: {  	_ =	swait.ge [sflag:s20], $0x2000  }
0xcd: {  	[sflag:s20] =	ssyncset.done $0x0  }
0xce: {  	[sflag:s20] =	ssyncadd.s32 $0xFFFFE000  }
0xcf: {  	_ =	swait.ge [sflag:s20], $0x2000  }
0xd0: {  	[sflag:s20] =	ssyncset.done $0x0  }
0xd1: {  	[sflag:s20] =	ssyncadd.s32 $0xFFFFE000  }
0xd2: {  	_ =	swait.ge [sflag:s20], $0x2000  }
0xd3: {  	[sflag:s20] =	ssyncset.done $0x0  }
0xd4: {  	[sflag:s20] =	ssyncadd.s32 $0xFFFFE000  }
0xd5: {  	_ =	swait.ge [sflag:s20], $0x2000  }
0xd6: {  	[sflag:s20] =	ssyncset.done $0x0  }
0xd7: {  	[sflag:s20] =	ssyncadd.s32 $0xFFFFE000  }
0xd8: {  	_ =	swait.ge [sflag:s20], $0x2000  }
0xd9: {  	s0 =	rddreg [dreg:$0x12]  }
0xda: {  	s5 =	rddreg [dreg:$0x6]  }
0xdb: {  	s14 =	rddreg [dreg:$0x7]  }
0xdc: {  	[sflag:s20] =	ssyncset.done $0x0;
	s16 =	rddreg [dreg:$0x10]  }
0xdd: {  	s18 =	rddreg [dreg:$0x11];
	[sflag:s20] =	ssyncadd.s32 $0xFFFFE000  }
0xde: {  	[tilespmem:s16], [sflag:$0x9] =	stream.linear.gather [hbm4b:s14+s1], $0x200, $0x38;
	[tilespmem:$0x11700] =	vst v63  }
0xdf: {  	s21 =	rddreg [dreg:$0x8];
	s14 =	simm.s32 @!p0 $0x1C0B  }
0xe0: {  	[tilespmem:s18], [sflag:$0xA] =	stream.linear.gather [hbm4b:s21+s1], $0x200, $0x38;
	[tilespmem:$0x11700] =	vst v63  }
0xe1: {  	[spmem:s0], [sflag:s14] =	dma.local @!p0 [hbm:s5], $0x1E00  }
0xe2: {  	_ =	swait.ge [sflag:s4], $0x200  }
0xe3: {  	[sflag:s4] =	ssyncset.done $0x0  }
0xe4: {  	[sflag:s4] =	ssyncadd.s32 $0xFFFFFE00  }
0xe5: {  	_ =	swait.ge [sflag:s6], $0x200  }
0xe6: {  	[sflag:s6] =	ssyncset.done $0x0  }
0xe7: {  	[sflag:s6] =	ssyncadd.s32 $0xFFFFFE00  }
0xe8: {  	v0 =	vld [tilespmem:$0x410]  }
0xe9: {  	v1 =	vld [tilespmem:$0x430]  }
0xea: {  	v2 =	vld [tilespmem:$0x630]  }
0xeb: {  	v3 =	vld [tilespmem:$0x610]  }
0xec: {  	v4 =	vld [tilespmem:$0x600]  }
0xed: {  	v5 =	vld [tilespmem:$0x620]  }
0xee: {  	v6 =	vld [tilespmem:$0x400]  }
0xef: {  	v7 =	vld [tilespmem:$0x420];
	v2 =	vmul.u32 $0x78, v2  }
0xf0: {  	v3 =	vmul.u32 $0x78, v3  }
0xf1: {  	v4 =	vmul.u32 $0x78, v4;
	v1 =	vadd.s32 v1, v2  }
0xf2: {  	v36 =	vmul.u32 $0x78, v5;
	v0 =	vadd.s32 v0, v3;
	[tilespmem:$0x30] =	vst v1  }
0xf3: {  	v37 =	vadd.s32 v6, v4;
	[tilespmem:$0x10] =	vst v0  }
0xf4: {  	v38 =	vadd.s32 v7, v36;
	[tilespmem:$0x0] =	vst v37  }
0xf5: {  	[tilespmem:$0x20] =	vst v38  }
0xf6: {  	_ =	swait.ge @!p0 [sflag:s7], $0x1E00  }
0xf7: {  	[sflag:s7] =	ssyncset.done @!p0 $0x0  }
0xf8: {  	[sflag:s7] =	ssyncadd.s32 @!p0 $0xFFFFE200  }
0xf9: {  	[bflag:$0x0] =	sbarrier.arrive $0xFFFF  }
0xfa: {  	[tilespmem:s9], [sflag:$0x1] =	stream.indirect.gather [spmem:s2], $0x80, s1, s8, $0xb8;
	[tilespmem:$0x11700] =	vst v63  }
0xfb: {  	v39 =	vld [tilespmem:$0x470]  }
0xfc: {  	v40 =	vld [tilespmem:$0x450]  }
0xfd: {  	v41 =	vld [tilespmem:$0x670]  }
0xfe: {  	v42 =	vld [tilespmem:$0x650]  }
0xff: {  	v43 =	vld [tilespmem:$0x660]  }
0x100: {  	v44 =	vld [tilespmem:$0x640]  }
0x101: {  	v45 =	vld [tilespmem:$0x460]  }
0x102: {  	v46 =	vld [tilespmem:$0x440];
	v2 =	vmul.u32 $0x78, v41  }
0x103: {  	v3 =	vmul.u32 $0x78, v42  }
0x104: {  	v4 =	vmul.u32 $0x78, v43;
	v0 =	vadd.s32 v39, v2  }
0x105: {  	v47 =	vmul.u32 $0x78, v44;
	v1 =	vadd.s32 v40, v3;
	[tilespmem:$0xB0] =	vst v0  }
0x106: {  	v48 =	vadd.s32 v45, v4;
	[tilespmem:$0x90] =	vst v1  }
0x107: {  	v49 =	vadd.s32 v46, v47;
	[tilespmem:$0xA0] =	vst v48  }
0x108: {  	s5 =	rddreg [dreg:$0x13];
	[tilespmem:$0x80] =	vst v49  }
0x109: {  	[tilespmem:s10], [sflag:$0x2] =	stream.indirect.gather [spmem:s2], $0x80, s5, s8, $0xb8;
	[tilespmem:$0x11700] =	vst v63  }
0x10a: {  	v50 =	vld [tilespmem:$0x4B0]  }
0x10b: {  	v51 =	vld [tilespmem:$0x4A0]  }
0x10c: {  	v52 =	vld [tilespmem:$0x6A0]  }
0x10d: {  	v53 =	vld [tilespmem:$0x6B0]  }
0x10e: {  	v54 =	vld [tilespmem:$0x690]  }
0x10f: {  	v55 =	vld [tilespmem:$0x680]  }
0x110: {  	v56 =	vld [tilespmem:$0x490]  }
0x111: {  	v57 =	vld [tilespmem:$0x480];
	v2 =	vmul.u32 $0x78, v52  }
0x112: {  	v3 =	vmul.u32 $0x78, v53  }
0x113: {  	v4 =	vmul.u32 $0x78, v54;
	v1 =	vadd.s32 v51, v2  }
0x114: {  	v58 =	vmul.u32 $0x78, v55;
	v0 =	vadd.s32 v50, v3;
	[tilespmem:$0x120] =	vst v1  }
0x115: {  	v59 =	vadd.s32 v56, v4;
	[tilespmem:$0x130] =	vst v0  }
0x116: {  	v60 =	vadd.s32 v57, v58;
	[tilespmem:$0x110] =	vst v59  }
0x117: {  	s14 =	rddreg [dreg:$0x14];
	[tilespmem:$0x100] =	vst v60  }
0x118: {  	[tilespmem:s11], [sflag:$0x3] =	stream.indirect.gather [spmem:s2], $0x80, s14, s8, $0xb8;
	[tilespmem:$0x11700] =	vst v63  }
0x119: {  	v62 =	vld [tilespmem:$0x4E0]  }
0x11a: {  	v63 =	vld [tilespmem:$0x6C0]  }
0x11b: {  	v9 =	vld [tilespmem:$0x4C0]  }
0x11c: {  	v10 =	vld [tilespmem:$0x6E0]  }
0x11d: {  	v11 =	vld [tilespmem:$0x6D0]  }
0x11e: {  	v12 =	vld [tilespmem:$0x6F0]  }
0x11f: {  	v61 =	vld [tilespmem:$0x4D0]  }
0x120: {  	v13 =	vld [tilespmem:$0x4F0];
	v2 =	vmul.u32 $0x78, v63  }
0x121: {  	v14 =	vmul.u32 $0x78, v10  }
0x122: {  	v15 =	vmul.u32 $0x78, v11;
	v2 =	vadd.s32 v9, v2  }
0x123: {  	v16 =	vmul.u32 $0x78, v12;
	v1 =	vadd.s32 v62, v14;
	[tilespmem:$0x180] =	vst v2  }
0x124: {  	v0 =	vadd.s32 v61, v15;
	[tilespmem:$0x1A0] =	vst v1  }
0x125: {  	v17 =	vadd.s32 v13, v16;
	[tilespmem:$0x190] =	vst v0  }
0x126: {  	s16 =	rddreg [dreg:$0x15];
	[tilespmem:$0x1B0] =	vst v17  }
0x127: {  	[tilespmem:s12], [sflag:$0x4] =	stream.indirect.gather [spmem:s2], $0x80, s16, s8, $0xb8;
	[tilespmem:$0x11700] =	vst v63  }
0x128: {  	v18 =	vld [tilespmem:$0x520]  }
0x129: {  	v19 =	vld [tilespmem:$0x710]  }
0x12a: {  	v20 =	vld [tilespmem:$0x510]  }
0x12b: {  	v21 =	vld [tilespmem:$0x720]  }
0x12c: {  	v22 =	vld [tilespmem:$0x730]  }
0x12d: {  	v23 =	vld [tilespmem:$0x700]  }
0x12e: {  	v24 =	vld [tilespmem:$0x530]  }
0x12f: {  	v25 =	vld [tilespmem:$0x500];
	v1 =	vmul.u32 $0x78, v19  }
0x130: {  	v26 =	vmul.u32 $0x78, v21  }
0x131: {  	v27 =	vmul.u32 $0x78, v22;
	v1 =	vadd.s32 v20, v1  }
0x132: {  	v28 =	vmul.u32 $0x78, v23;
	v0 =	vadd.s32 v18, v26;
	[tilespmem:$0x210] =	vst v1  }
0x133: {  	v29 =	vadd.s32 v24, v27;
	[tilespmem:$0x220] =	vst v0  }
0x134: {  	v30 =	vadd.s32 v25, v28;
	[tilespmem:$0x230] =	vst v29  }
0x135: {  	s18 =	simm.s32 $0x200;
	[tilespmem:$0x200] =	vst v30  }
0x136: {  	[tilespmem:s13], [sflag:$0x5] =	stream.indirect.gather [spmem:s2], $0x80, s18, s8, $0xb8;
	[tilespmem:$0x11700] =	vst v63  }
0x137: {  	v32 =	vld [tilespmem:$0x560]  }
0x138: {  	v33 =	vld [tilespmem:$0x760]  }
0x139: {  	v34 =	vld [tilespmem:$0x740]  }
0x13a: {  	v35 =	vld [tilespmem:$0x750]  }
0x13b: {  	v36 =	vld [tilespmem:$0x770]  }
0x13c: {  	v37 =	vld [tilespmem:$0x550]  }
0x13d: {  	v31 =	vld [tilespmem:$0x540]  }
0x13e: {  	v38 =	vld [tilespmem:$0x570];
	v2 =	vmul.u32 $0x78, v33  }
0x13f: {  	v4 =	vmul.u32 $0x78, v35  }
0x140: {  	v3 =	vmul.u32 $0x78, v34;
	v1 =	vadd.s32 v32, v2  }
0x141: {  	v39 =	vmul.u32 $0x78, v36;
	v40 =	vadd.s32 v37, v4;
	[tilespmem:$0x2A0] =	vst v1  }
0x142: {  	v0 =	vadd.s32 v31, v3;
	[tilespmem:$0x290] =	vst v40  }
0x143: {  	v1 =	vadd.s32 v38, v39;
	[tilespmem:$0x280] =	vst v0  }
0x144: {  	s21 =	simm.s32 $0x280;
	[tilespmem:$0x2B0] =	vst v1  }
0x145: {  	[tilespmem:s15], [sflag:$0x6] =	stream.indirect.gather [spmem:s2], $0x80, s21, s8, $0xb8;
	[tilespmem:$0x11700] =	vst v63  }
0x146: {  	v41 =	vld [tilespmem:$0x590]  }
0x147: {  	v42 =	vld [tilespmem:$0x790]  }
0x148: {  	v43 =	vld [tilespmem:$0x7B0]  }
0x149: {  	v44 =	vld [tilespmem:$0x5B0]  }
0x14a: {  	v46 =	vld [tilespmem:$0x780]  }
0x14b: {  	v45 =	vld [tilespmem:$0x7A0]  }
0x14c: {  	v48 =	vld [tilespmem:$0x580]  }
0x14d: {  	v47 =	vld [tilespmem:$0x5A0];
	v1 =	vmul.u32 $0x78, v42  }
0x14e: {  	v2 =	vmul.u32 $0x78, v43  }
0x14f: {  	v51 =	vmul.u32 $0x78, v46;
	v0 =	vadd.s32 v41, v1  }
0x150: {  	v49 =	vmul.u32 $0x78, v45;
	v50 =	vadd.s32 v44, v2;
	[tilespmem:$0x310] =	vst v0  }
0x151: {  	v52 =	vadd.s32 v48, v51;
	[tilespmem:$0x330] =	vst v50  }
0x152: {  	v0 =	vadd.s32 v47, v49;
	[tilespmem:$0x300] =	vst v52  }
0x153: {  	s5 =	simm.s32 $0x300;
	[tilespmem:$0x320] =	vst v0  }
0x154: {  	[tilespmem:s17], [sflag:$0x7] =	stream.indirect.gather [spmem:s2], $0x80, s5, s8, $0xb8;
	[tilespmem:$0x11700] =	vst v63  }
0x155: {  	v53 =	vld [tilespmem:$0x5D0]  }
0x156: {  	v54 =	vld [tilespmem:$0x5C0]  }
0x157: {  	v55 =	vld [tilespmem:$0x7C0]  }
0x158: {  	v56 =	vld [tilespmem:$0x7D0]  }
0x159: {  	v57 =	vld [tilespmem:$0x7F0]  }
0x15a: {  	v58 =	vld [tilespmem:$0x7E0]  }
0x15b: {  	v59 =	vld [tilespmem:$0x5F0]  }
0x15c: {  	v60 =	vld [tilespmem:$0x5E0];
	v2 =	vmul.u32 $0x78, v55  }
0x15d: {  	v3 =	vmul.u32 $0x78, v56  }
0x15e: {  	v61 =	vmul.u32 $0x78, v57;
	v1 =	vadd.s32 v54, v2  }
0x15f: {  	v62 =	vmul.u32 $0x78, v58;
	v0 =	vadd.s32 v53, v3;
	[tilespmem:$0x380] =	vst v1  }
0x160: {  	v63 =	vadd.s32 v59, v61;
	[tilespmem:$0x390] =	vst v0  }
0x161: {  	v1 =	vadd.s32 v60, v62;
	[tilespmem:$0x3B0] =	vst v63  }
0x162: {  	s14 =	simm.s32 $0x380;
	[tilespmem:$0x3A0] =	vst v1  }
0x163: {  	[tilespmem:s19], [sflag:$0x8] =	stream.indirect.gather [spmem:s2], $0x80, s14, s8, $0xb8;
	[tilespmem:$0x11700] =	vst v63  }
0x164: {  	_ =	swait.ge [sflag:s22], $0x2000  }
0x165: {  	[sflag:s22] =	ssyncset.done $0x0  }
0x166: {  	[sflag:s22] =	ssyncadd.s32 $0xFFFFE000  }
0x167: {  	[hbm4b:s3+s1] =	stream.linear.scatter [tilespmem:s9], [sflag:$0xC], $0x2000, $0x38;
	[tilespmem:$0x11700] =	vst v63  }
0x168: {  	_ =	swait.ge [sflag:s23], $0x2000  }
0x169: {  	[sflag:s23] =	ssyncset.done $0x0  }
0x16a: {  	s16 =	rddreg [dreg:$0x9];
	[sflag:s23] =	ssyncadd.s32 $0xFFFFE000  }
0x16b: {  	[hbm4b:s16+s1] =	stream.linear.scatter [tilespmem:s10], [sflag:$0xC], $0x2000, $0x38;
	[tilespmem:$0x11700] =	vst v63  }
0x16c: {  	_ =	swait.ge [sflag:s24], $0x2000  }
0x16d: {  	s31 =	sadd.s32 $0xFFFFFFFF, s31;
	[sflag:s24] =	ssyncset.done $0x0  }
0x16e: {  	p1 =	sne.s32 s31, $0x0;
	s18 =	rddreg [dreg:$0xa];
	[sflag:s24] =	ssyncadd.s32 $0xFFFFE000  }
0x16f: {  	[hbm4b:s18+s1] =	stream.linear.scatter [tilespmem:s11], [sflag:$0xC], $0x2000, $0x38;
	[tilespmem:$0x11700] =	vst v63  }
.Ltmp1:
0x170: {  	_ = 	snop;
	(pc) =	sbr.rel @p1 .LBB2_1-.Ltmp1, $4  }
0x171: {  	_ =	swait.ge [sflag:s28], $0x2000  }
0x172: {  	[sflag:s28] =	ssyncset.done $0x0  }
0x173: {  	s21 =	rddreg [dreg:$0xb];
	[sflag:s28] =	ssyncadd.s32 $0xFFFFE000  }
0x174: {  	[hbm4b:s21+s1] =	stream.linear.scatter [tilespmem:s12], [sflag:$0xC], $0x2000, $0x38;
	[tilespmem:$0x11700] =	vst v63  }
.LBB2_2:
0x175: {  	_ =	swait.ge [sflag:s30], $0x2000  }
0x176: {  	[sflag:s30] =	ssyncset.done $0x0  }
0x177: {  	s0 =	rddreg [dreg:$0xc];
	[sflag:s30] =	ssyncadd.s32 $0xFFFFE000  }
0x178: {  	[hbm4b:s0+s1] =	stream.linear.scatter [tilespmem:s13], [sflag:$0xC], $0x2000, $0x38;
	[tilespmem:$0x11700] =	vst v63  }
0x179: {  	_ =	swait.ge [sflag:s29], $0x2000  }
0x17a: {  	[sflag:s29] =	ssyncset.done $0x0  }
0x17b: {  	s28 =	rddreg [dreg:$0xd];
	[sflag:s29] =	ssyncadd.s32 $0xFFFFE000  }
0x17c: {  	[hbm4b:s28+s1] =	stream.linear.scatter [tilespmem:s15], [sflag:$0xC], $0x2000, $0x38;
	[tilespmem:$0x11700] =	vst v63  }
0x17d: {  	_ =	swait.ge [sflag:s26], $0x2000  }
0x17e: {  	[sflag:s26] =	ssyncset.done $0x0  }
0x17f: {  	s30 =	rddreg [dreg:$0xe];
	[sflag:s26] =	ssyncadd.s32 $0xFFFFE000  }
0x180: {  	[hbm4b:s30+s1] =	stream.linear.scatter [tilespmem:s17], [sflag:$0xC], $0x2000, $0x38;
	[tilespmem:$0x11700] =	vst v63  }
0x181: {  	_ =	swait.ge [sflag:s25], $0x2000  }
0x182: {  	[sflag:s25] =	ssyncset.done $0x0  }
0x183: {  	s31 =	rddreg [dreg:$0xf];
	[sflag:s25] =	ssyncadd.s32 $0xFFFFE000  }
0x184: {  	[hbm4b:s31+s1] =	stream.linear.scatter [tilespmem:s19], [sflag:$0xC], $0x2000, $0x38;
	[tilespmem:$0x11700] =	vst v63  }
0x185: {  	_ =	swait.ge [sflag:s20], $0x2000  }
0x186: {  	[sflag:s20] =	ssyncset.done $0x0  }
0x187: {  	[sflag:s20] =	ssyncadd.s32 $0xFFFFE000  }
0x188: {  	_ =	swait.ge [sflag:s20], $0x2000  }
0x189: {  	[sflag:s20] =	ssyncset.done $0x0  }
0x18a: {  	[sflag:s20] =	ssyncadd.s32 $0xFFFFE000  }
0x18b: {  	_ =	swait.ge [sflag:s20], $0x2000  }
0x18c: {  	[sflag:s20] =	ssyncset.done $0x0  }
0x18d: {  	[sflag:s20] =	ssyncadd.s32 $0xFFFFE000  }
0x18e: {  	_ =	swait.ge [sflag:s20], $0x2000  }
0x18f: {  	[sflag:s20] =	ssyncset.done $0x0  }
0x190: {  	[sflag:s20] =	ssyncadd.s32 $0xFFFFE000  }
0x191: {  	_ =	swait.ge [sflag:s20], $0x2000  }
0x192: {  	[sflag:s20] =	ssyncset.done $0x0  }
0x193: {  	[sflag:s20] =	ssyncadd.s32 $0xFFFFE000  }
0x194: {  	_ =	swait.ge [sflag:s20], $0x2000  }
0x195: {  	[sflag:s20] =	ssyncset.done $0x0  }
0x196: {  	[sflag:s20] =	ssyncadd.s32 $0xFFFFE000  }
0x197: {  	_ =	swait.ge [sflag:s20], $0x2000  }
0x198: {  	[sflag:s20] =	ssyncset.done $0x0  }
0x199: {  	[sflag:s20] =	ssyncadd.s32 $0xFFFFE000  }
0x19a: {  	_ =	swait.ge [sflag:s20], $0x2000  }
0x19b: {  	[sflag:s20] =	ssyncset.done $0x0  }
0x19c: {  	[sflag:s20] =	ssyncadd.s32 $0xFFFFE000  }
0x19d: {  	_ =	sfence.sel $0x180000  }
0x19e: {  	[bflag:$0x0] =	sbarrier.arrive $0xFFFF  }
0x19f: {  	_ =	strace $0x90000047  }
0x1a0: {  	[bflag:$0x2] =	sbarrier.arrive $0xFFFF  }
0x1a1: {  	s0 =	rddreg [dreg:$0x5]  }
0x1a2: {  	s0 =	sadd.s32 @!p0 $0x100000, s0  }
0x1a3: {  	[sflag:s0] =	ssyncadd.tile.s32 @!p0 $0x1;
	_ =	shalt  }
.Lfunc_end2:
_tile_overlayer_lowered:
.L_overlay_start_2:
0x1a4: {  	(tag) =	ssettag $0x2  }
0x1a5: {  	s0 =	rddreg [dreg:$0x0];
	s2 =	stileid.u32  }
0x1a6: {  	s1 =	rddreg [dreg:$0x1];
	p0 =	sne.s32 s2, $0x0  }
0x1a7: {  	s3 =	rddreg [dreg:$0x2];
	[bflag:$0x3] =	sbarrier.arrive $0xFFFF;
	s2 =	simm.s32 @!p0 $0x1C0D  }
0x1a8: {  	[timem:s3], [sflag:s2] =	dma.local @!p0 [hbm:s0], s1  }
0x1a9: {  	s0 =	simm.s32 @!p0 $0xD  }
0x1aa: {  	_ =	swait.ge @!p0 [sflag:s0], s1  }
0x1ab: {  	s1 =	ssub.s32 @!p0 $0x0, s1;
	[sflag:s0] =	ssyncset.done @!p0 $0x0  }
0x1ac: {  	[sflag:s0] =	ssyncadd.s32 @!p0 s1  }
0x1ad: {  	[bflag:$0x3] =	sbarrier.arrive $0xFFFF  }
0x1ae: {  	_ =	shalt  }

</sc_bundles>
